<compile_context>
chip_gen: v7x
topology: tpu7x:2x2x1
jax: 0.10.2.dev20260603
libtpu: 0.0.44.dev20260713+nightly
codegen_flags: <defaults>
</compile_context>

<pallas_src>
import functools

import jax
import jax.numpy as jnp
from jax import lax
from jax.experimental import pallas as pl
from jax.experimental.pallas import tpu as pltpu
from jax.experimental.pallas import tpu_sc as plsc

_NC = 2
_NS = 16
_NW = _NC * _NS
_K = 128


def _sum_rows(row_vs, n_rows, d):
    n_bufs = len(row_vs)

    @pl.loop(0, n_rows)
    def _(r):
        for c in range(d // 16):
            slc = pl.ds(c * 16, 16)
            acc = row_vs[0][r, slc]
            for t in range(1, n_bufs):
                acc = acc + row_vs[t][r, slc]
            row_vs[0][r, slc] = acc


def _sum_rows_packed(row_vs, out_buf, n_rows, d):
    n_bufs = len(row_vs)

    @pl.loop(0, n_rows // 2)
    def _(r2):
        for half in range(2):
            for c in range(d // 16):
                slc = pl.ds(c * 16, 16)
                acc = row_vs[0][2 * r2 + half, slc]
                for t in range(1, n_bufs):
                    acc = acc + row_vs[t][2 * r2 + half, slc]
                out_buf[r2, pl.ds(half * d + c * 16, 16)] = acc


_NT = 5


def _sc_gather_body(*refs):
    tables = refs[0:_NT]
    idxs = refs[_NT:2 * _NT]
    atabs = refs[2 * _NT:2 * _NT + 6]
    aidxs = refs[2 * _NT + 6:2 * _NT + 12]
    out = refs[2 * _NT + 12]
    aout = refs[2 * _NT + 13]
    s = 2 * _NT + 14
    idx_vs = refs[s:s + _NT]
    row_vs = refs[s + _NT:s + 2 * _NT]
    aidx_vs = refs[s + 2 * _NT:s + 2 * _NT + 6]
    arow_vs = refs[s + 2 * _NT + 6:s + 2 * _NT + 12]
    aout_buf = refs[s + 2 * _NT + 12]
    sem, wsem = refs[s + 2 * _NT + 13:s + 2 * _NT + 15]

    wid = lax.axis_index("s") * _NC + lax.axis_index("c")
    d = out.shape[1] // 2
    n = 200
    nb = 2 * out.shape[0] // (_NW * n)

    b0 = wid * nb
    cps = [pltpu.async_copy(idxs[t].at[pl.ds(b0, nb), :], idx_vs[t], sem)
           for t in range(_NT)]
    for cp in cps:
        cp.wait()

    @pl.loop(0, nb)
    def _(lb):
        row0 = (wid * (nb // 2) + lb // 2) * n
        col0 = (lb % 2) * d
        for n0, kk in ((0, 104), (104, 96)):
            gcps = [pltpu.async_copy(
                tables[t].at[idx_vs[t].at[lb, pl.ds(n0, kk)]],
                row_vs[t].at[pl.ds(0, kk)], sem)
                for t in range(_NT)]
            for cp in gcps:
                cp.wait()
            _sum_rows(row_vs, kk, d)
            pltpu.async_copy(
                row_vs[0].at[pl.ds(0, kk)],
                out.at[pl.ds(row0 + n0, kk), pl.ds(col0, d)],
                wsem).wait()

    a_per_w = 2 * aout.shape[0] // _NW
    abase = wid * a_per_w
    acps = []
    for t in range(6):
        pltpu.sync_copy(aidxs[t].at[pl.ds(abase, a_per_w)], aidx_vs[t])
        acps.append(pltpu.async_copy(atabs[t].at[aidx_vs[t]], arow_vs[t], sem))
    for cp in acps:
        cp.wait()
    _sum_rows_packed(arow_vs, aout_buf, a_per_w, d)
    pltpu.sync_copy(aout_buf, aout.at[pl.ds(abase // 2, a_per_w // 2)])


def _tc_body(gs2, aux2, content, pids, lens, pos, w, bias,
             seq_o, valid_o, mask_o, lens_o):
    bb, n, d = seq_o.shape
    scale = float(d) ** 0.5
    g2 = gs2[...]
    gs = jnp.stack([g2[:, :, :d], g2[:, :, d:]], axis=1).reshape(bb, n, d)
    gs = gs[:, : n - 1]
    a2 = aux2[...]
    aux = jnp.stack([a2[:, :d], a2[:, d:]], axis=1).reshape(bb, d)
    c = jnp.dot(content[...].reshape(bb * n, content.shape[2]), w[...],
                preferred_element_type=jnp.float32).reshape(bb, n, d)
    pos_v = pos[...]
    seqpart = (gs + c[:, : n - 1] + bias[...][None]) * scale + pos_v[None, 1:n]
    auxpart = aux * scale + pos_v[0][None]
    validf = (pids[:, : n - 1] != 0).astype(jnp.float32)
    seq_o[...] = jnp.concatenate(
        [auxpart[:, None, :], seqpart * validf[..., None]], axis=1)
    valid_o[...] = jnp.concatenate(
        [jnp.ones((bb, 1), jnp.float32), validf], axis=1)
    lens1 = lens[...] + 1
    lens_o[...] = lens1
    mask_o[...] = lax.broadcasted_iota(jnp.int32, (bb, n), 1) < lens1


def _combine_body(a_ref, h_ref, c_ref, d_ref, ah_o, cd_o):
    a = a_ref[...]
    h = h_ref[...]
    ah_o[...] = (a[:, None, :] + h[None, :, :]).reshape(
        a.shape[0] * h.shape[0], a.shape[1])
    c = c_ref[...]
    dd = d_ref[...]
    cd_o[...] = (c[:, None, :] + dd[None, :, :]).reshape(
        c.shape[0] * dd.shape[0], c.shape[1])


def kernel(past_lens, past_ids, category_id, created_at, words_count, age, hour_of_day, day_of_week, environment, deviceGroup, os, country, region, referrer_type, content_embedding, item_table, category_id_table, created_at_table, words_count_table, age_table, hour_of_day_table, day_of_week_table, environment_table, deviceGroup_table, os_table, country_table, region_table, referrer_type_table, pos_table, W, b):
    B, N = past_ids.shape
    D = item_table.shape[1]
    P = B * N
    per_w = P // _NW

    n_hour = hour_of_day_table.shape[0]
    n_day = day_of_week_table.shape[0]
    ah_table, cd_table = pl.pallas_call(
        _combine_body,
        out_shape=[
            jax.ShapeDtypeStruct((age_table.shape[0] * n_hour, D),
                                 jnp.float32),
            jax.ShapeDtypeStruct((category_id_table.shape[0] * n_day, D),
                                 jnp.float32),
        ],
    )(age_table, hour_of_day_table, category_id_table, day_of_week_table)

    seq_tables = (item_table, created_at_table, words_count_table,
                  ah_table, cd_table)
    seq_idx = (past_ids, created_at, words_count,
               age * n_hour + hour_of_day,
               category_id * n_day + day_of_week)
    aux_tables = (environment_table, deviceGroup_table, os_table,
                  country_table, region_table, referrer_type_table)
    aux_idx = (environment, deviceGroup, os, country, region, referrer_type)

    mesh = plsc.VectorSubcoreMesh(core_axis_name="c", subcore_axis_name="s")
    sc_gather = functools.partial(
        pl.kernel, mesh=mesh,
        compiler_params=pltpu.CompilerParams(use_tc_tiling_on_sc=False),
        out_type=[jax.ShapeDtypeStruct((P // 2, 2 * D), jnp.float32),
                  jax.ShapeDtypeStruct((B // 2, 2 * D), jnp.float32)],
        scratch_types=(
            [pltpu.VMEM((B // _NW, N), jnp.int32)] * _NT
            + [pltpu.VMEM((_K, D), jnp.float32)] * _NT
            + [pltpu.VMEM((B // _NW,), jnp.int32)] * 6
            + [pltpu.VMEM((B // _NW, D), jnp.float32)] * 6
            + [pltpu.VMEM((B // _NW // 2, 2 * D), jnp.float32)]
            + [pltpu.SemaphoreType.DMA,
               pltpu.SemaphoreType.DMA]
        ),
    )(_sc_gather_body)

    gs_flat, aux2 = sc_gather(*seq_tables, *seq_idx, *aux_tables, *aux_idx)
    gs2 = gs_flat.reshape(B // 2, N, 2 * D)

    BB = 32
    grid = (B // BB,)
    seq, valid, mask, lens_o = pl.pallas_call(
        _tc_body,
        grid=grid,
        in_specs=(
            [pl.BlockSpec((BB // 2, N, 2 * D), lambda i: (i, 0, 0)),
             pl.BlockSpec((BB // 2, 2 * D), lambda i: (i, 0)),
             pl.BlockSpec((BB, N, content_embedding.shape[2]),
                          lambda i: (i, 0, 0)),
             pl.BlockSpec((BB, N), lambda i: (i, 0)),
             pl.BlockSpec((BB, 1), lambda i: (i, 0)),
             pl.BlockSpec((N, D), lambda i: (0, 0)),
             pl.BlockSpec(W.shape, lambda i: (0, 0)),
             pl.BlockSpec((1, D), lambda i: (0, 0))]
        ),
        out_specs=[
            pl.BlockSpec((BB, N, D), lambda i: (i, 0, 0)),
            pl.BlockSpec((BB, N), lambda i: (i, 0)),
            pl.BlockSpec((BB, N), lambda i: (i, 0)),
            pl.BlockSpec((BB, 1), lambda i: (i, 0)),
        ],
        out_shape=[
            jax.ShapeDtypeStruct((B, N, D), jnp.float32),
            jax.ShapeDtypeStruct((B, N), jnp.float32),
            jax.ShapeDtypeStruct((B, N), jnp.bool_),
            jax.ShapeDtypeStruct((B, 1), jnp.int32),
        ],
    )(gs2, aux2, content_embedding, past_ids,
      past_lens.reshape(B, 1), pos_table, W, b.reshape(1, D))

    return (lens_o.reshape(B), seq, valid[..., None], mask)

# --- scband reference (transcript-rebuilt; emitter-appended) ---
"""Pipeline reference for scband-all-embeddings-input-preprocessor-16801912062135 (READ-ONLY COPY).

The authoritative reference and input builder live on the scoring server;
editing this copy changes nothing except your own understanding.
"""

import jax, jax.numpy as jnp
import numpy as np

B, N, D = 1024, 200, 64
NONAUX = [("category_id", 1001), ("created_at", 10001), ("words_count", 2001), ("age", 101), ("hour_of_day", 25), ("day_of_week", 8)]
AUX = [("environment", 6), ("deviceGroup", 11), ("os", 21), ("country", 251), ("region", 2001), ("referrer_type", 11)]

def setup_inputs(seed: int = 0) -> dict:
    key = jax.random.key(seed)
    ks = iter(jax.random.split(key, 64))
    inp = {}
    inp["past_lens"] = jax.random.randint(next(ks), (B,), 0, 199)
    inp["past_ids"] = jax.random.randint(next(ks), (B, N), 0, 1000000)
    for name, nrow in NONAUX:
        inp[name] = jax.random.randint(next(ks), (B, N), 0, nrow - 1)
    for name, nrow in AUX:
        inp[name] = jax.random.randint(next(ks), (B,), 0, nrow - 1)
    inp["content_embedding"] = jax.random.normal(next(ks), (B, N, 250), jnp.float32)
    inp["item_table"] = jax.random.normal(next(ks), (1000001, D), jnp.float32) * 0.02
    for name, nrow in NONAUX + AUX:
        inp[name + "_table"] = jax.random.normal(next(ks), (nrow, D), jnp.float32) * 0.02
    inp["pos_table"] = jax.random.normal(next(ks), (200, D), jnp.float32) * (1.0 / D) ** 0.5
    inp["W"] = jax.random.normal(next(ks), (250, D), jnp.float32) * 0.05
    inp["b"] = jnp.zeros((D,), jnp.float32)
    return inp

def reference(past_lens, past_ids, category_id, created_at, words_count, age, hour_of_day, day_of_week, environment, deviceGroup, os, country, region, referrer_type, content_embedding, item_table, category_id_table, created_at_table, words_count_table, age_table, hour_of_day_table, day_of_week_table, environment_table, deviceGroup_table, os_table, country_table, region_table, referrer_type_table, pos_table, W, b):
    Bn, Nn = past_ids.shape
    scale = float(D) ** 0.5
    seq = jnp.take(item_table, past_ids, axis=0)
    valid = (past_ids != 0)[..., None].astype(jnp.float32)
    seq = seq + jnp.take(category_id_table, category_id, axis=0)
    seq = seq + jnp.take(created_at_table, created_at, axis=0)
    seq = seq + jnp.take(words_count_table, words_count, axis=0)
    seq = seq + jnp.take(age_table, age, axis=0)
    seq = seq + jnp.take(hour_of_day_table, hour_of_day, axis=0)
    seq = seq + jnp.take(day_of_week_table, day_of_week, axis=0)
    seq = seq + content_embedding @ W + b
    aux = jnp.take(environment_table, environment, axis=0)
    aux = aux + jnp.take(deviceGroup_table, deviceGroup, axis=0)
    aux = aux + jnp.take(os_table, os, axis=0)
    aux = aux + jnp.take(country_table, country, axis=0)
    aux = aux + jnp.take(region_table, region, axis=0)
    aux = aux + jnp.take(referrer_type_table, referrer_type, axis=0)
    aux = aux[:, None, :]
    seq = jnp.concatenate([aux * scale, seq * scale], axis=1)
    valid = jnp.concatenate([jnp.ones((Bn, 1, 1), jnp.float32), valid], axis=1)
    seq = seq[:, :-1, :]
    valid = valid[:, :-1, :]
    seq = seq + jnp.take(pos_table, jnp.arange(Nn), axis=0)[None]
    seq = seq * valid
    aux_mask = jnp.arange(Nn)[None, :] < (past_lens + 1)[:, None]
    return (past_lens + 1, seq, valid, aux_mask)

if __name__ == "__main__":
    import jax
    _d = setup_inputs()
    print(jax.jit(kernel)(*tuple(_d.values())))

</pallas_src>

<mosaic_0001>
#map = affine_map<(d0, d1) -> (0, 0)>
#map1 = affine_map<(d0, d1) -> (0)>
module attributes {stable_mosaic.version = 14 : i64} {
  func.func @_sc_gather_body(%arg0: i32, %arg1: i32, %arg2: memref<1000001x64xf32, #tpu.memory_space<hbm>>, %arg3: memref<10001x64xf32, #tpu.memory_space<hbm>>, %arg4: memref<2001x64xf32, #tpu.memory_space<hbm>>, %arg5: memref<2525x64xf32, #tpu.memory_space<hbm>>, %arg6: memref<8008x64xf32, #tpu.memory_space<hbm>>, %arg7: memref<1024x200xi32, #tpu.memory_space<hbm>>, %arg8: memref<1024x200xi32, #tpu.memory_space<hbm>>, %arg9: memref<1024x200xi32, #tpu.memory_space<hbm>>, %arg10: memref<1024x200xi32, #tpu.memory_space<hbm>>, %arg11: memref<1024x200xi32, #tpu.memory_space<hbm>>, %arg12: memref<6x64xf32, #tpu.memory_space<hbm>>, %arg13: memref<11x64xf32, #tpu.memory_space<hbm>>, %arg14: memref<21x64xf32, #tpu.memory_space<hbm>>, %arg15: memref<251x64xf32, #tpu.memory_space<hbm>>, %arg16: memref<2001x64xf32, #tpu.memory_space<hbm>>, %arg17: memref<11x64xf32, #tpu.memory_space<hbm>>, %arg18: memref<1024xi32, #tpu.memory_space<hbm>>, %arg19: memref<1024xi32, #tpu.memory_space<hbm>>, %arg20: memref<1024xi32, #tpu.memory_space<hbm>>, %arg21: memref<1024xi32, #tpu.memory_space<hbm>>, %arg22: memref<1024xi32, #tpu.memory_space<hbm>>, %arg23: memref<1024xi32, #tpu.memory_space<hbm>>, %arg24: memref<102400x128xf32, #tpu.memory_space<hbm>>, %arg25: memref<512x128xf32, #tpu.memory_space<hbm>>, %arg26: memref<32x200xi32, #tpu.memory_space<vmem>>, %arg27: memref<32x200xi32, #tpu.memory_space<vmem>>, %arg28: memref<32x200xi32, #tpu.memory_space<vmem>>, %arg29: memref<32x200xi32, #tpu.memory_space<vmem>>, %arg30: memref<32x200xi32, #tpu.memory_space<vmem>>, %arg31: memref<128x64xf32, #tpu.memory_space<vmem>>, %arg32: memref<128x64xf32, #tpu.memory_space<vmem>>, %arg33: memref<128x64xf32, #tpu.memory_space<vmem>>, %arg34: memref<128x64xf32, #tpu.memory_space<vmem>>, %arg35: memref<128x64xf32, #tpu.memory_space<vmem>>, %arg36: memref<32xi32, #tpu.memory_space<vmem>>, %arg37: memref<32xi32, #tpu.memory_space<vmem>>, %arg38: memref<32xi32, #tpu.memory_space<vmem>>, %arg39: memref<32xi32, #tpu.memory_space<vmem>>, %arg40: memref<32xi32, #tpu.memory_space<vmem>>, %arg41: memref<32xi32, #tpu.memory_space<vmem>>, %arg42: memref<32x64xf32, #tpu.memory_space<vmem>>, %arg43: memref<32x64xf32, #tpu.memory_space<vmem>>, %arg44: memref<32x64xf32, #tpu.memory_space<vmem>>, %arg45: memref<32x64xf32, #tpu.memory_space<vmem>>, %arg46: memref<32x64xf32, #tpu.memory_space<vmem>>, %arg47: memref<32x64xf32, #tpu.memory_space<vmem>>, %arg48: memref<16x128xf32, #tpu.memory_space<vmem>>, %arg49: memref<!tpu.dma_semaphore, #tpu.memory_space<semaphore_mem>>, %arg50: memref<!tpu.dma_semaphore, #tpu.memory_space<semaphore_mem>>) attributes {dimension_semantics = [#tpu.dimension_semantics<core_parallel>, #tpu.dimension_semantics<subcore_parallel>], iteration_bounds = array<i64: 2, 16>, scalar_prefetch = 0 : i64, scratch_operands = 25 : i64, tpu.core_type = #tpu.core_type<sc_vector_subcore>, window_params = [{transform_indices = #map}, {transform_indices = #map}, {transform_indices = #map}, {transform_indices = #map}, {transform_indices = #map}, {transform_indices = #map}, {transform_indices = #map}, {transform_indices = #map}, {transform_indices = #map}, {transform_indices = #map}, {transform_indices = #map}, {transform_indices = #map}, {transform_indices = #map}, {transform_indices = #map}, {transform_indices = #map}, {transform_indices = #map}, {transform_indices = #map1}, {transform_indices = #map1}, {transform_indices = #map1}, {transform_indices = #map1}, {transform_indices = #map1}, {transform_indices = #map1}, {transform_indices = #map}, {transform_indices = #map}]} {
    %mul3A = arith.constant 2 : i32
    %mul3A_0 = arith.muli %arg1, %mul3A : i32
    %add3A = arith.addi %mul3A_0, %arg0 : i32
    %mul3A_1 = arith.constant 32 : i32
    %mul3A_2 = arith.muli %add3A, %mul3A_1 : i32
    %dma_start3A = arith.constant 0 : i32
    %dma_start3A_3 = tpu.memref_slice %arg7[%mul3A_2, %dma_start3A] : memref<1024x200xi32, #tpu.memory_space<hbm>> -> memref<32x200xi32, #tpu.memory_space<hbm>>
    %dma_start3A_4 = arith.constant 0 : i32
    %dma_start3A_5 = tpu.memref_slice %arg7[%mul3A_2, %dma_start3A_4] : memref<1024x200xi32, #tpu.memory_space<hbm>> -> memref<32x200xi32, #tpu.memory_space<hbm>>
    tpu.enqueue_dma source(%dma_start3A_5 : memref<32x200xi32, #tpu.memory_space<hbm>>) target(%arg26 : memref<32x200xi32, #tpu.memory_space<vmem>>) target_semaphore(%arg49 : memref<!tpu.dma_semaphore, #tpu.memory_space<semaphore_mem>>)
    %dma_start3A_6 = arith.constant 0 : i32
    %dma_start3A_7 = tpu.memref_slice %arg8[%mul3A_2, %dma_start3A_6] : memref<1024x200xi32, #tpu.memory_space<hbm>> -> memref<32x200xi32, #tpu.memory_space<hbm>>
    %dma_start3A_8 = arith.constant 0 : i32
    %dma_start3A_9 = tpu.memref_slice %arg8[%mul3A_2, %dma_start3A_8] : memref<1024x200xi32, #tpu.memory_space<hbm>> -> memref<32x200xi32, #tpu.memory_space<hbm>>
    tpu.enqueue_dma source(%dma_start3A_9 : memref<32x200xi32, #tpu.memory_space<hbm>>) target(%arg27 : memref<32x200xi32, #tpu.memory_space<vmem>>) target_semaphore(%arg49 : memref<!tpu.dma_semaphore, #tpu.memory_space<semaphore_mem>>)
    %dma_start3A_10 = arith.constant 0 : i32
    %dma_start3A_11 = tpu.memref_slice %arg9[%mul3A_2, %dma_start3A_10] : memref<1024x200xi32, #tpu.memory_space<hbm>> -> memref<32x200xi32, #tpu.memory_space<hbm>>
    %dma_start3A_12 = arith.constant 0 : i32
    %dma_start3A_13 = tpu.memref_slice %arg9[%mul3A_2, %dma_start3A_12] : memref<1024x200xi32, #tpu.memory_space<hbm>> -> memref<32x200xi32, #tpu.memory_space<hbm>>
    tpu.enqueue_dma source(%dma_start3A_13 : memref<32x200xi32, #tpu.memory_space<hbm>>) target(%arg28 : memref<32x200xi32, #tpu.memory_space<vmem>>) target_semaphore(%arg49 : memref<!tpu.dma_semaphore, #tpu.memory_space<semaphore_mem>>)
    %dma_start3A_14 = arith.constant 0 : i32
    %dma_start3A_15 = tpu.memref_slice %arg10[%mul3A_2, %dma_start3A_14] : memref<1024x200xi32, #tpu.memory_space<hbm>> -> memref<32x200xi32, #tpu.memory_space<hbm>>
    %dma_start3A_16 = arith.constant 0 : i32
    %dma_start3A_17 = tpu.memref_slice %arg10[%mul3A_2, %dma_start3A_16] : memref<1024x200xi32, #tpu.memory_space<hbm>> -> memref<32x200xi32, #tpu.memory_space<hbm>>
    tpu.enqueue_dma source(%dma_start3A_17 : memref<32x200xi32, #tpu.memory_space<hbm>>) target(%arg29 : memref<32x200xi32, #tpu.memory_space<vmem>>) target_semaphore(%arg49 : memref<!tpu.dma_semaphore, #tpu.memory_space<semaphore_mem>>)
    %dma_start3A_18 = arith.constant 0 : i32
    %dma_start3A_19 = tpu.memref_slice %arg11[%mul3A_2, %dma_start3A_18] : memref<1024x200xi32, #tpu.memory_space<hbm>> -> memref<32x200xi32, #tpu.memory_space<hbm>>
    %dma_start3A_20 = arith.constant 0 : i32
    %dma_start3A_21 = tpu.memref_slice %arg11[%mul3A_2, %dma_start3A_20] : memref<1024x200xi32, #tpu.memory_space<hbm>> -> memref<32x200xi32, #tpu.memory_space<hbm>>
    tpu.enqueue_dma source(%dma_start3A_21 : memref<32x200xi32, #tpu.memory_space<hbm>>) target(%arg30 : memref<32x200xi32, #tpu.memory_space<vmem>>) target_semaphore(%arg49 : memref<!tpu.dma_semaphore, #tpu.memory_space<semaphore_mem>>)
    %dma_wait3A = arith.constant 0 : i32
    %dma_wait3A_22 = tpu.memref_slice %arg7[%mul3A_2, %dma_wait3A] : memref<1024x200xi32, #tpu.memory_space<hbm>> -> memref<32x200xi32, #tpu.memory_space<hbm>>
    %dma_wait3A_23 = arith.constant 0 : i32
    %dma_wait3A_24 = tpu.memref_slice %arg7[%mul3A_2, %dma_wait3A_23] : memref<1024x200xi32, #tpu.memory_space<hbm>> -> memref<32x200xi32, #tpu.memory_space<hbm>>
    tpu.wait_dma2 semaphore(%arg49 : memref<!tpu.dma_semaphore, #tpu.memory_space<semaphore_mem>>) src(%dma_wait3A_24 : memref<32x200xi32, #tpu.memory_space<hbm>>) dst(%arg26 : memref<32x200xi32, #tpu.memory_space<vmem>>)
    %dma_wait3A_25 = arith.constant 0 : i32
    %dma_wait3A_26 = tpu.memref_slice %arg8[%mul3A_2, %dma_wait3A_25] : memref<1024x200xi32, #tpu.memory_space<hbm>> -> memref<32x200xi32, #tpu.memory_space<hbm>>
    %dma_wait3A_27 = arith.constant 0 : i32
    %dma_wait3A_28 = tpu.memref_slice %arg8[%mul3A_2, %dma_wait3A_27] : memref<1024x200xi32, #tpu.memory_space<hbm>> -> memref<32x200xi32, #tpu.memory_space<hbm>>
    tpu.wait_dma2 semaphore(%arg49 : memref<!tpu.dma_semaphore, #tpu.memory_space<semaphore_mem>>) src(%dma_wait3A_28 : memref<32x200xi32, #tpu.memory_space<hbm>>) dst(%arg27 : memref<32x200xi32, #tpu.memory_space<vmem>>)
    %dma_wait3A_29 = arith.constant 0 : i32
    %dma_wait3A_30 = tpu.memref_slice %arg9[%mul3A_2, %dma_wait3A_29] : memref<1024x200xi32, #tpu.memory_space<hbm>> -> memref<32x200xi32, #tpu.memory_space<hbm>>
    %dma_wait3A_31 = arith.constant 0 : i32
    %dma_wait3A_32 = tpu.memref_slice %arg9[%mul3A_2, %dma_wait3A_31] : memref<1024x200xi32, #tpu.memory_space<hbm>> -> memref<32x200xi32, #tpu.memory_space<hbm>>
    tpu.wait_dma2 semaphore(%arg49 : memref<!tpu.dma_semaphore, #tpu.memory_space<semaphore_mem>>) src(%dma_wait3A_32 : memref<32x200xi32, #tpu.memory_space<hbm>>) dst(%arg28 : memref<32x200xi32, #tpu.memory_space<vmem>>)
    %dma_wait3A_33 = arith.constant 0 : i32
    %dma_wait3A_34 = tpu.memref_slice %arg10[%mul3A_2, %dma_wait3A_33] : memref<1024x200xi32, #tpu.memory_space<hbm>> -> memref<32x200xi32, #tpu.memory_space<hbm>>
    %dma_wait3A_35 = arith.constant 0 : i32
    %dma_wait3A_36 = tpu.memref_slice %arg10[%mul3A_2, %dma_wait3A_35] : memref<1024x200xi32, #tpu.memory_space<hbm>> -> memref<32x200xi32, #tpu.memory_space<hbm>>
    tpu.wait_dma2 semaphore(%arg49 : memref<!tpu.dma_semaphore, #tpu.memory_space<semaphore_mem>>) src(%dma_wait3A_36 : memref<32x200xi32, #tpu.memory_space<hbm>>) dst(%arg29 : memref<32x200xi32, #tpu.memory_space<vmem>>)
    %dma_wait3A_37 = arith.constant 0 : i32
    %dma_wait3A_38 = tpu.memref_slice %arg11[%mul3A_2, %dma_wait3A_37] : memref<1024x200xi32, #tpu.memory_space<hbm>> -> memref<32x200xi32, #tpu.memory_space<hbm>>
    %dma_wait3A_39 = arith.constant 0 : i32
    %dma_wait3A_40 = tpu.memref_slice %arg11[%mul3A_2, %dma_wait3A_39] : memref<1024x200xi32, #tpu.memory_space<hbm>> -> memref<32x200xi32, #tpu.memory_space<hbm>>
    tpu.wait_dma2 semaphore(%arg49 : memref<!tpu.dma_semaphore, #tpu.memory_space<semaphore_mem>>) src(%dma_wait3A_40 : memref<32x200xi32, #tpu.memory_space<hbm>>) dst(%arg30 : memref<32x200xi32, #tpu.memory_space<vmem>>)
    %scan3A = arith.constant 0 : i32
    %scan3A_41 = arith.constant 32 : i32
    %scan3A_42 = arith.addi %scan3A, %scan3A_41 : i32
    %scan3A_43 = arith.constant 1 : i32
    scf.for %scan3A_104 = %scan3A to %scan3A_42 step %scan3A_43  : i32 {
      %mul3A_105 = arith.constant 1 : i32
      %mul3A_106 = arith.muli %scan3A_104, %mul3A_105 : i32
      %add3A_107 = arith.constant 0 : i32
      %add3A_108 = arith.addi %add3A_107, %mul3A_106 : i32
      %mul3A_109 = arith.constant 16 : i32
      %mul3A_110 = arith.muli %add3A, %mul3A_109 : i32
      %jit3A_111 = arith.constant 2 : i32
      %div3A_112 = arith.divsi %add3A_108, %jit3A_111 : i32
      %sign3A_113 = arith.constant 0 : i32
      %sign3A_114 = arith.cmpi sgt, %add3A_108, %sign3A_113 : i32
      %sign3A_115 = arith.extui %sign3A_114 : i1 to i32
      %sign3A_116 = arith.constant 0 : i32
      %sign3A_117 = arith.cmpi slt, %add3A_108, %sign3A_116 : i32
      %sign3A_118 = arith.extui %sign3A_117 : i1 to i32
      %sign3A_119 = arith.subi %sign3A_115, %sign3A_118 : i32
      %sign3A_120 = arith.constant 0 : i32
      %sign3A_121 = arith.cmpi sgt, %jit3A_111, %sign3A_120 : i32
      %sign3A_122 = arith.extui %sign3A_121 : i1 to i32
      %sign3A_123 = arith.constant 0 : i32
      %sign3A_124 = arith.cmpi slt, %jit3A_111, %sign3A_123 : i32
      %sign3A_125 = arith.extui %sign3A_124 : i1 to i32
      %sign3A_126 = arith.subi %sign3A_122, %sign3A_125 : i32
      %ne3A_127 = arith.cmpi ne, %sign3A_119, %sign3A_126 : i32
      %rem3A_128 = arith.remsi %add3A_108, %jit3A_111 : i32
      %ne3A_129 = arith.constant 0 : i32
      %ne3A_130 = arith.cmpi ne, %rem3A_128, %ne3A_129 : i32
      %and3A_131 = arith.andi %ne3A_127, %ne3A_130 : i1
      %sub3A_132 = arith.constant 1 : i32
      %sub3A_133 = arith.subi %div3A_112, %sub3A_132 : i32
      %select_n3A_134 = arith.select %and3A_131, %sub3A_133, %div3A_112 : i32
      %add3A_135 = arith.addi %mul3A_110, %select_n3A_134 : i32
      %mul3A_136 = arith.constant 200 : i32
      %mul3A_137 = arith.muli %add3A_135, %mul3A_136 : i32
      %jit3A_138 = arith.constant 2 : i32
      %eq3A = arith.constant 0 : i32
      %eq3A_139 = arith.cmpi eq, %jit3A_138, %eq3A : i32
      %jit3A_140 = arith.constant 1 : i32
      %select_n3A_141 = arith.select %eq3A_139, %jit3A_140, %jit3A_138 : i32
      %rem3A_142 = arith.remsi %add3A_108, %select_n3A_141 : i32
      %ne3A_143 = arith.constant 0 : i32
      %ne3A_144 = arith.cmpi ne, %rem3A_142, %ne3A_143 : i32
      %lt3A = arith.constant 0 : i32
      %lt3A_145 = arith.cmpi slt, %rem3A_142, %lt3A : i32
      %lt3A_146 = arith.constant 0 : i32
      %lt3A_147 = arith.cmpi slt, %select_n3A_141, %lt3A_146 : i32
      %ne3A_148 = arith.xori %lt3A_145, %lt3A_147 : i1
      %and3A_149 = arith.andi %ne3A_148, %ne3A_144 : i1
      %add3A_150 = arith.addi %rem3A_142, %select_n3A_141 : i32
      %select_n3A_151 = arith.select %and3A_149, %add3A_150, %rem3A_142 : i32
      %mul3A_152 = arith.constant 64 : i32
      %mul3A_153 = arith.muli %select_n3A_151, %mul3A_152 : i32
      %dma_start3A_154 = arith.constant 0 : i32
      %dma_start3A_155 = arith.constant 0 : i32
      %dma_start3A_156 = tpu.memref_slice %arg31[%dma_start3A_154, %dma_start3A_155] : memref<128x64xf32, #tpu.memory_space<vmem>> -> memref<104x64xf32, #tpu.memory_space<vmem>>
      %dma_start3A_157 = arith.constant 0 : i32
      %dma_start3A_158 = tpu.memref_slice %arg26[%add3A_108, %dma_start3A_157] : memref<32x200xi32, #tpu.memory_space<vmem>> -> memref<1x104xi32, #tpu.memory_space<vmem>>
      %dma_start3A_159 = tpu.memref_squeeze %dma_start3A_158 : memref<1x104xi32, #tpu.memory_space<vmem>> -> memref<104xi32, #tpu.memory_space<vmem>>
      %dma_start3A_160 = arith.constant 0 : i32
      %dma_start3A_161 = arith.constant 0 : i32
      %dma_start3A_162 = tpu.memref_slice %arg2[%dma_start3A_160, %dma_start3A_161] : memref<1000001x64xf32, #tpu.memory_space<hbm>> -> memref<1000001x64xf32, #tpu.memory_space<hbm>>
      tpu.enqueue_indirect_dma source(%dma_start3A_162 : memref<1000001x64xf32, #tpu.memory_space<hbm>>) target(%dma_start3A_156 : memref<104x64xf32, #tpu.memory_space<vmem>>) offsets(%dma_start3A_159 : memref<104xi32, #tpu.memory_space<vmem>>) semaphore(%arg49 : memref<!tpu.dma_semaphore, #tpu.memory_space<semaphore_mem>>)
      %dma_start3A_163 = arith.constant 0 : i32
      %dma_start3A_164 = arith.constant 0 : i32
      %dma_start3A_165 = tpu.memref_slice %arg32[%dma_start3A_163, %dma_start3A_164] : memref<128x64xf32, #tpu.memory_space<vmem>> -> memref<104x64xf32, #tpu.memory_space<vmem>>
      %dma_start3A_166 = arith.constant 0 : i32
      %dma_start3A_167 = tpu.memref_slice %arg27[%add3A_108, %dma_start3A_166] : memref<32x200xi32, #tpu.memory_space<vmem>> -> memref<1x104xi32, #tpu.memory_space<vmem>>
      %dma_start3A_168 = tpu.memref_squeeze %dma_start3A_167 : memref<1x104xi32, #tpu.memory_space<vmem>> -> memref<104xi32, #tpu.memory_space<vmem>>
      %dma_start3A_169 = arith.constant 0 : i32
      %dma_start3A_170 = arith.constant 0 : i32
      %dma_start3A_171 = tpu.memref_slice %arg3[%dma_start3A_169, %dma_start3A_170] : memref<10001x64xf32, #tpu.memory_space<hbm>> -> memref<10001x64xf32, #tpu.memory_space<hbm>>
      tpu.enqueue_indirect_dma source(%dma_start3A_171 : memref<10001x64xf32, #tpu.memory_space<hbm>>) target(%dma_start3A_165 : memref<104x64xf32, #tpu.memory_space<vmem>>) offsets(%dma_start3A_168 : memref<104xi32, #tpu.memory_space<vmem>>) semaphore(%arg49 : memref<!tpu.dma_semaphore, #tpu.memory_space<semaphore_mem>>)
      %dma_start3A_172 = arith.constant 0 : i32
      %dma_start3A_173 = arith.constant 0 : i32
      %dma_start3A_174 = tpu.memref_slice %arg33[%dma_start3A_172, %dma_start3A_173] : memref<128x64xf32, #tpu.memory_space<vmem>> -> memref<104x64xf32, #tpu.memory_space<vmem>>
      %dma_start3A_175 = arith.constant 0 : i32
      %dma_start3A_176 = tpu.memref_slice %arg28[%add3A_108, %dma_start3A_175] : memref<32x200xi32, #tpu.memory_space<vmem>> -> memref<1x104xi32, #tpu.memory_space<vmem>>
      %dma_start3A_177 = tpu.memref_squeeze %dma_start3A_176 : memref<1x104xi32, #tpu.memory_space<vmem>> -> memref<104xi32, #tpu.memory_space<vmem>>
      %dma_start3A_178 = arith.constant 0 : i32
      %dma_start3A_179 = arith.constant 0 : i32
      %dma_start3A_180 = tpu.memref_slice %arg4[%dma_start3A_178, %dma_start3A_179] : memref<2001x64xf32, #tpu.memory_space<hbm>> -> memref<2001x64xf32, #tpu.memory_space<hbm>>
      tpu.enqueue_indirect_dma source(%dma_start3A_180 : memref<2001x64xf32, #tpu.memory_space<hbm>>) target(%dma_start3A_174 : memref<104x64xf32, #tpu.memory_space<vmem>>) offsets(%dma_start3A_177 : memref<104xi32, #tpu.memory_space<vmem>>) semaphore(%arg49 : memref<!tpu.dma_semaphore, #tpu.memory_space<semaphore_mem>>)
      %dma_start3A_181 = arith.constant 0 : i32
      %dma_start3A_182 = arith.constant 0 : i32
      %dma_start3A_183 = tpu.memref_slice %arg34[%dma_start3A_181, %dma_start3A_182] : memref<128x64xf32, #tpu.memory_space<vmem>> -> memref<104x64xf32, #tpu.memory_space<vmem>>
      %dma_start3A_184 = arith.constant 0 : i32
      %dma_start3A_185 = tpu.memref_slice %arg29[%add3A_108, %dma_start3A_184] : memref<32x200xi32, #tpu.memory_space<vmem>> -> memref<1x104xi32, #tpu.memory_space<vmem>>
      %dma_start3A_186 = tpu.memref_squeeze %dma_start3A_185 : memref<1x104xi32, #tpu.memory_space<vmem>> -> memref<104xi32, #tpu.memory_space<vmem>>
      %dma_start3A_187 = arith.constant 0 : i32
      %dma_start3A_188 = arith.constant 0 : i32
      %dma_start3A_189 = tpu.memref_slice %arg5[%dma_start3A_187, %dma_start3A_188] : memref<2525x64xf32, #tpu.memory_space<hbm>> -> memref<2525x64xf32, #tpu.memory_space<hbm>>
      tpu.enqueue_indirect_dma source(%dma_start3A_189 : memref<2525x64xf32, #tpu.memory_space<hbm>>) target(%dma_start3A_183 : memref<104x64xf32, #tpu.memory_space<vmem>>) offsets(%dma_start3A_186 : memref<104xi32, #tpu.memory_space<vmem>>) semaphore(%arg49 : memref<!tpu.dma_semaphore, #tpu.memory_space<semaphore_mem>>)
      %dma_start3A_190 = arith.constant 0 : i32
      %dma_start3A_191 = arith.constant 0 : i32
      %dma_start3A_192 = tpu.memref_slice %arg35[%dma_start3A_190, %dma_start3A_191] : memref<128x64xf32, #tpu.memory_space<vmem>> -> memref<104x64xf32, #tpu.memory_space<vmem>>
      %dma_start3A_193 = arith.constant 0 : i32
      %dma_start3A_194 = tpu.memref_slice %arg30[%add3A_108, %dma_start3A_193] : memref<32x200xi32, #tpu.memory_space<vmem>> -> memref<1x104xi32, #tpu.memory_space<vmem>>
      %dma_start3A_195 = tpu.memref_squeeze %dma_start3A_194 : memref<1x104xi32, #tpu.memory_space<vmem>> -> memref<104xi32, #tpu.memory_space<vmem>>
      %dma_start3A_196 = arith.constant 0 : i32
      %dma_start3A_197 = arith.constant 0 : i32
      %dma_start3A_198 = tpu.memref_slice %arg6[%dma_start3A_196, %dma_start3A_197] : memref<8008x64xf32, #tpu.memory_space<hbm>> -> memref<8008x64xf32, #tpu.memory_space<hbm>>
      tpu.enqueue_indirect_dma source(%dma_start3A_198 : memref<8008x64xf32, #tpu.memory_space<hbm>>) target(%dma_start3A_192 : memref<104x64xf32, #tpu.memory_space<vmem>>) offsets(%dma_start3A_195 : memref<104xi32, #tpu.memory_space<vmem>>) semaphore(%arg49 : memref<!tpu.dma_semaphore, #tpu.memory_space<semaphore_mem>>)
      %dma_wait3A_199 = arith.constant 0 : i32
      %dma_wait3A_200 = arith.constant 0 : i32
      %dma_wait3A_201 = tpu.memref_slice %arg31[%dma_wait3A_199, %dma_wait3A_200] : memref<128x64xf32, #tpu.memory_space<vmem>> -> memref<104x64xf32, #tpu.memory_space<vmem>>
      %dma_wait3A_202 = arith.constant 0 : i32
      %dma_wait3A_203 = tpu.memref_slice %arg26[%add3A_108, %dma_wait3A_202] : memref<32x200xi32, #tpu.memory_space<vmem>> -> memref<1x104xi32, #tpu.memory_space<vmem>>
      %dma_wait3A_204 = tpu.memref_squeeze %dma_wait3A_203 : memref<1x104xi32, #tpu.memory_space<vmem>> -> memref<104xi32, #tpu.memory_space<vmem>>
      %dma_wait3A_205 = arith.constant 0 : i32
      %dma_wait3A_206 = arith.constant 0 : i32
      %dma_wait3A_207 = tpu.memref_slice %arg2[%dma_wait3A_205, %dma_wait3A_206] : memref<1000001x64xf32, #tpu.memory_space<hbm>> -> memref<1000001x64xf32, #tpu.memory_space<hbm>>
      tpu.wait_indirect_dma semaphore(%arg49 : memref<!tpu.dma_semaphore, #tpu.memory_space<semaphore_mem>>) src(%dma_wait3A_207 : memref<1000001x64xf32, #tpu.memory_space<hbm>>) dst(%dma_wait3A_201 : memref<104x64xf32, #tpu.memory_space<vmem>>)
      %dma_wait3A_208 = arith.constant 0 : i32
      %dma_wait3A_209 = arith.constant 0 : i32
      %dma_wait3A_210 = tpu.memref_slice %arg32[%dma_wait3A_208, %dma_wait3A_209] : memref<128x64xf32, #tpu.memory_space<vmem>> -> memref<104x64xf32, #tpu.memory_space<vmem>>
      %dma_wait3A_211 = arith.constant 0 : i32
      %dma_wait3A_212 = tpu.memref_slice %arg27[%add3A_108, %dma_wait3A_211] : memref<32x200xi32, #tpu.memory_space<vmem>> -> memref<1x104xi32, #tpu.memory_space<vmem>>
      %dma_wait3A_213 = tpu.memref_squeeze %dma_wait3A_212 : memref<1x104xi32, #tpu.memory_space<vmem>> -> memref<104xi32, #tpu.memory_space<vmem>>
      %dma_wait3A_214 = arith.constant 0 : i32
      %dma_wait3A_215 = arith.constant 0 : i32
      %dma_wait3A_216 = tpu.memref_slice %arg3[%dma_wait3A_214, %dma_wait3A_215] : memref<10001x64xf32, #tpu.memory_space<hbm>> -> memref<10001x64xf32, #tpu.memory_space<hbm>>
      tpu.wait_indirect_dma semaphore(%arg49 : memref<!tpu.dma_semaphore, #tpu.memory_space<semaphore_mem>>) src(%dma_wait3A_216 : memref<10001x64xf32, #tpu.memory_space<hbm>>) dst(%dma_wait3A_210 : memref<104x64xf32, #tpu.memory_space<vmem>>)
      %dma_wait3A_217 = arith.constant 0 : i32
      %dma_wait3A_218 = arith.constant 0 : i32
      %dma_wait3A_219 = tpu.memref_slice %arg33[%dma_wait3A_217, %dma_wait3A_218] : memref<128x64xf32, #tpu.memory_space<vmem>> -> memref<104x64xf32, #tpu.memory_space<vmem>>
      %dma_wait3A_220 = arith.constant 0 : i32
      %dma_wait3A_221 = tpu.memref_slice %arg28[%add3A_108, %dma_wait3A_220] : memref<32x200xi32, #tpu.memory_space<vmem>> -> memref<1x104xi32, #tpu.memory_space<vmem>>
      %dma_wait3A_222 = tpu.memref_squeeze %dma_wait3A_221 : memref<1x104xi32, #tpu.memory_space<vmem>> -> memref<104xi32, #tpu.memory_space<vmem>>
      %dma_wait3A_223 = arith.constant 0 : i32
      %dma_wait3A_224 = arith.constant 0 : i32
      %dma_wait3A_225 = tpu.memref_slice %arg4[%dma_wait3A_223, %dma_wait3A_224] : memref<2001x64xf32, #tpu.memory_space<hbm>> -> memref<2001x64xf32, #tpu.memory_space<hbm>>
      tpu.wait_indirect_dma semaphore(%arg49 : memref<!tpu.dma_semaphore, #tpu.memory_space<semaphore_mem>>) src(%dma_wait3A_225 : memref<2001x64xf32, #tpu.memory_space<hbm>>) dst(%dma_wait3A_219 : memref<104x64xf32, #tpu.memory_space<vmem>>)
      %dma_wait3A_226 = arith.constant 0 : i32
      %dma_wait3A_227 = arith.constant 0 : i32
      %dma_wait3A_228 = tpu.memref_slice %arg34[%dma_wait3A_226, %dma_wait3A_227] : memref<128x64xf32, #tpu.memory_space<vmem>> -> memref<104x64xf32, #tpu.memory_space<vmem>>
      %dma_wait3A_229 = arith.constant 0 : i32
      %dma_wait3A_230 = tpu.memref_slice %arg29[%add3A_108, %dma_wait3A_229] : memref<32x200xi32, #tpu.memory_space<vmem>> -> memref<1x104xi32, #tpu.memory_space<vmem>>
      %dma_wait3A_231 = tpu.memref_squeeze %dma_wait3A_230 : memref<1x104xi32, #tpu.memory_space<vmem>> -> memref<104xi32, #tpu.memory_space<vmem>>
      %dma_wait3A_232 = arith.constant 0 : i32
      %dma_wait3A_233 = arith.constant 0 : i32
      %dma_wait3A_234 = tpu.memref_slice %arg5[%dma_wait3A_232, %dma_wait3A_233] : memref<2525x64xf32, #tpu.memory_space<hbm>> -> memref<2525x64xf32, #tpu.memory_space<hbm>>
      tpu.wait_indirect_dma semaphore(%arg49 : memref<!tpu.dma_semaphore, #tpu.memory_space<semaphore_mem>>) src(%dma_wait3A_234 : memref<2525x64xf32, #tpu.memory_space<hbm>>) dst(%dma_wait3A_228 : memref<104x64xf32, #tpu.memory_space<vmem>>)
      %dma_wait3A_235 = arith.constant 0 : i32
      %dma_wait3A_236 = arith.constant 0 : i32
      %dma_wait3A_237 = tpu.memref_slice %arg35[%dma_wait3A_235, %dma_wait3A_236] : memref<128x64xf32, #tpu.memory_space<vmem>> -> memref<104x64xf32, #tpu.memory_space<vmem>>
      %dma_wait3A_238 = arith.constant 0 : i32
      %dma_wait3A_239 = tpu.memref_slice %arg30[%add3A_108, %dma_wait3A_238] : memref<32x200xi32, #tpu.memory_space<vmem>> -> memref<1x104xi32, #tpu.memory_space<vmem>>
      %dma_wait3A_240 = tpu.memref_squeeze %dma_wait3A_239 : memref<1x104xi32, #tpu.memory_space<vmem>> -> memref<104xi32, #tpu.memory_space<vmem>>
      %dma_wait3A_241 = arith.constant 0 : i32
      %dma_wait3A_242 = arith.constant 0 : i32
      %dma_wait3A_243 = tpu.memref_slice %arg6[%dma_wait3A_241, %dma_wait3A_242] : memref<8008x64xf32, #tpu.memory_space<hbm>> -> memref<8008x64xf32, #tpu.memory_space<hbm>>
      tpu.wait_indirect_dma semaphore(%arg49 : memref<!tpu.dma_semaphore, #tpu.memory_space<semaphore_mem>>) src(%dma_wait3A_243 : memref<8008x64xf32, #tpu.memory_space<hbm>>) dst(%dma_wait3A_237 : memref<104x64xf32, #tpu.memory_space<vmem>>)
      %scan3A_244 = arith.constant 0 : i32
      %scan3A_245 = arith.constant 104 : i32
      %scan3A_246 = arith.addi %scan3A_244, %scan3A_245 : i32
      %scan3A_247 = arith.constant 1 : i32
      scf.for %scan3A_380 = %scan3A_244 to %scan3A_246 step %scan3A_247  : i32 {
        %mul3A_381 = arith.constant 1 : i32
        %mul3A_382 = arith.muli %scan3A_380, %mul3A_381 : i32
        %add3A_383 = arith.constant 0 : i32
        %add3A_384 = arith.addi %add3A_383, %mul3A_382 : i32
        %get3A = arith.index_cast %add3A_384 : i32 to index
        %get3A_385 = arith.constant 0 : index
        %get3A_386 = tpu.vector_load %arg31[%get3A, %get3A_385] {strides = array<i32>} : memref<128x64xf32, #tpu.memory_space<vmem>>, vector<1x16xf32>,
        %get3A_387 = vector.shape_cast %get3A_386 : vector<1x16xf32> to vector<16xf32>
        %get3A_388 = arith.index_cast %add3A_384 : i32 to index
        %get3A_389 = arith.constant 0 : index
        %get3A_390 = tpu.vector_load %arg32[%get3A_388, %get3A_389] {strides = array<i32>} : memref<128x64xf32, #tpu.memory_space<vmem>>, vector<1x16xf32>,
        %get3A_391 = vector.shape_cast %get3A_390 : vector<1x16xf32> to vector<16xf32>
        %add3A_392 = arith.addf %get3A_387, %get3A_391 : vector<16xf32>
        %get3A_393 = arith.index_cast %add3A_384 : i32 to index
        %get3A_394 = arith.constant 0 : index
        %get3A_395 = tpu.vector_load %arg33[%get3A_393, %get3A_394] {strides = array<i32>} : memref<128x64xf32, #tpu.memory_space<vmem>>, vector<1x16xf32>,
        %get3A_396 = vector.shape_cast %get3A_395 : vector<1x16xf32> to vector<16xf32>
        %add3A_397 = arith.addf %add3A_392, %get3A_396 : vector<16xf32>
        %get3A_398 = arith.index_cast %add3A_384 : i32 to index
        %get3A_399 = arith.constant 0 : index
        %get3A_400 = tpu.vector_load %arg34[%get3A_398, %get3A_399] {strides = array<i32>} : memref<128x64xf32, #tpu.memory_space<vmem>>, vector<1x16xf32>,
        %get3A_401 = vector.shape_cast %get3A_400 : vector<1x16xf32> to vector<16xf32>
        %add3A_402 = arith.addf %add3A_397, %get3A_401 : vector<16xf32>
        %get3A_403 = arith.index_cast %add3A_384 : i32 to index
        %get3A_404 = arith.constant 0 : index
        %get3A_405 = tpu.vector_load %arg35[%get3A_403, %get3A_404] {strides = array<i32>} : memref<128x64xf32, #tpu.memory_space<vmem>>, vector<1x16xf32>,
        %get3A_406 = vector.shape_cast %get3A_405 : vector<1x16xf32> to vector<16xf32>
        %add3A_407 = arith.addf %add3A_402, %get3A_406 : vector<16xf32>
        %swap3A = arith.index_cast %add3A_384 : i32 to index
        %swap3A_408 = arith.constant 0 : index
        %swap3A_409 = tpu.vector_load %arg31[%swap3A, %swap3A_408] {strides = array<i32>} : memref<128x64xf32, #tpu.memory_space<vmem>>, vector<1x16xf32>,
        %swap3A_410 = vector.shape_cast %swap3A_409 : vector<1x16xf32> to vector<16xf32>
        %swap3A_411 = vector.shape_cast %add3A_407 : vector<16xf32> to vector<1x16xf32>
        tpu.vector_store %arg31[%swap3A, %swap3A_408], %swap3A_411 {strides = array<i32>} : memref<128x64xf32, #tpu.memory_space<vmem>>, vector<1x16xf32>,
        %get3A_412 = arith.index_cast %add3A_384 : i32 to index
        %get3A_413 = arith.constant 16 : index
        %get3A_414 = tpu.vector_load %arg31[%get3A_412, %get3A_413] {strides = array<i32>} : memref<128x64xf32, #tpu.memory_space<vmem>>, vector<1x16xf32>,
        %get3A_415 = vector.shape_cast %get3A_414 : vector<1x16xf32> to vector<16xf32>
        %get3A_416 = arith.index_cast %add3A_384 : i32 to index
        %get3A_417 = arith.constant 16 : index
        %get3A_418 = tpu.vector_load %arg32[%get3A_416, %get3A_417] {strides = array<i32>} : memref<128x64xf32, #tpu.memory_space<vmem>>, vector<1x16xf32>,
        %get3A_419 = vector.shape_cast %get3A_418 : vector<1x16xf32> to vector<16xf32>
        %add3A_420 = arith.addf %get3A_415, %get3A_419 : vector<16xf32>
        %get3A_421 = arith.index_cast %add3A_384 : i32 to index
        %get3A_422 = arith.constant 16 : index
        %get3A_423 = tpu.vector_load %arg33[%get3A_421, %get3A_422] {strides = array<i32>} : memref<128x64xf32, #tpu.memory_space<vmem>>, vector<1x16xf32>,
        %get3A_424 = vector.shape_cast %get3A_423 : vector<1x16xf32> to vector<16xf32>
        %add3A_425 = arith.addf %add3A_420, %get3A_424 : vector<16xf32>
        %get3A_426 = arith.index_cast %add3A_384 : i32 to index
        %get3A_427 = arith.constant 16 : index
        %get3A_428 = tpu.vector_load %arg34[%get3A_426, %get3A_427] {strides = array<i32>} : memref<128x64xf32, #tpu.memory_space<vmem>>, vector<1x16xf32>,
        %get3A_429 = vector.shape_cast %get3A_428 : vector<1x16xf32> to vector<16xf32>
        %add3A_430 = arith.addf %add3A_425, %get3A_429 : vector<16xf32>
        %get3A_431 = arith.index_cast %add3A_384 : i32 to index
        %get3A_432 = arith.constant 16 : index
        %get3A_433 = tpu.vector_load %arg35[%get3A_431, %get3A_432] {strides = array<i32>} : memref<128x64xf32, #tpu.memory_space<vmem>>, vector<1x16xf32>,
        %get3A_434 = vector.shape_cast %get3A_433 : vector<1x16xf32> to vector<16xf32>
        %add3A_435 = arith.addf %add3A_430, %get3A_434 : vector<16xf32>
        %swap3A_436 = arith.index_cast %add3A_384 : i32 to index
        %swap3A_437 = arith.constant 16 : index
        %swap3A_438 = tpu.vector_load %arg31[%swap3A_436, %swap3A_437] {strides = array<i32>} : memref<128x64xf32, #tpu.memory_space<vmem>>, vector<1x16xf32>,
        %swap3A_439 = vector.shape_cast %swap3A_438 : vector<1x16xf32> to vector<16xf32>
        %swap3A_440 = vector.shape_cast %add3A_435 : vector<16xf32> to vector<1x16xf32>
        tpu.vector_store %arg31[%swap3A_436, %swap3A_437], %swap3A_440 {strides = array<i32>} : memref<128x64xf32, #tpu.memory_space<vmem>>, vector<1x16xf32>,
        %get3A_441 = arith.index_cast %add3A_384 : i32 to index
        %get3A_442 = arith.constant 32 : index
        %get3A_443 = tpu.vector_load %arg31[%get3A_441, %get3A_442] {strides = array<i32>} : memref<128x64xf32, #tpu.memory_space<vmem>>, vector<1x16xf32>,
        %get3A_444 = vector.shape_cast %get3A_443 : vector<1x16xf32> to vector<16xf32>
        %get3A_445 = arith.index_cast %add3A_384 : i32 to index
        %get3A_446 = arith.constant 32 : index
        %get3A_447 = tpu.vector_load %arg32[%get3A_445, %get3A_446] {strides = array<i32>} : memref<128x64xf32, #tpu.memory_space<vmem>>, vector<1x16xf32>,
        %get3A_448 = vector.shape_cast %get3A_447 : vector<1x16xf32> to vector<16xf32>
        %add3A_449 = arith.addf %get3A_444, %get3A_448 : vector<16xf32>
        %get3A_450 = arith.index_cast %add3A_384 : i32 to index
        %get3A_451 = arith.constant 32 : index
        %get3A_452 = tpu.vector_load %arg33[%get3A_450, %get3A_451] {strides = array<i32>} : memref<128x64xf32, #tpu.memory_space<vmem>>, vector<1x16xf32>,
        %get3A_453 = vector.shape_cast %get3A_452 : vector<1x16xf32> to vector<16xf32>
        %add3A_454 = arith.addf %add3A_449, %get3A_453 : vector<16xf32>
        %get3A_455 = arith.index_cast %add3A_384 : i32 to index
        %get3A_456 = arith.constant 32 : index
        %get3A_457 = tpu.vector_load %arg34[%get3A_455, %get3A_456] {strides = array<i32>} : memref<128x64xf32, #tpu.memory_space<vmem>>, vector<1x16xf32>,
        %get3A_458 = vector.shape_cast %get3A_457 : vector<1x16xf32> to vector<16xf32>
        %add3A_459 = arith.addf %add3A_454, %get3A_458 : vector<16xf32>
        %get3A_460 = arith.index_cast %add3A_384 : i32 to index
        %get3A_461 = arith.constant 32 : index
        %get3A_462 = tpu.vector_load %arg35[%get3A_460, %get3A_461] {strides = array<i32>} : memref<128x64xf32, #tpu.memory_space<vmem>>, vector<1x16xf32>,
        %get3A_463 = vector.shape_cast %get3A_462 : vector<1x16xf32> to vector<16xf32>
        %add3A_464 = arith.addf %add3A_459, %get3A_463 : vector<16xf32>
        %swap3A_465 = arith.index_cast %add3A_384 : i32 to index
        %swap3A_466 = arith.constant 32 : index
        %swap3A_467 = tpu.vector_load %arg31[%swap3A_465, %swap3A_466] {strides = array<i32>} : memref<128x64xf32, #tpu.memory_space<vmem>>, vector<1x16xf32>,
        %swap3A_468 = vector.shape_cast %swap3A_467 : vector<1x16xf32> to vector<16xf32>
        %swap3A_469 = vector.shape_cast %add3A_464 : vector<16xf32> to vector<1x16xf32>
        tpu.vector_store %arg31[%swap3A_465, %swap3A_466], %swap3A_469 {strides = array<i32>} : memref<128x64xf32, #tpu.memory_space<vmem>>, vector<1x16xf32>,
        %get3A_470 = arith.index_cast %add3A_384 : i32 to index
        %get3A_471 = arith.constant 48 : index
        %get3A_472 = tpu.vector_load %arg31[%get3A_470, %get3A_471] {strides = array<i32>} : memref<128x64xf32, #tpu.memory_space<vmem>>, vector<1x16xf32>,
        %get3A_473 = vector.shape_cast %get3A_472 : vector<1x16xf32> to vector<16xf32>
        %get3A_474 = arith.index_cast %add3A_384 : i32 to index
        %get3A_475 = arith.constant 48 : index
        %get3A_476 = tpu.vector_load %arg32[%get3A_474, %get3A_475] {strides = array<i32>} : memref<128x64xf32, #tpu.memory_space<vmem>>, vector<1x16xf32>,
        %get3A_477 = vector.shape_cast %get3A_476 : vector<1x16xf32> to vector<16xf32>
        %add3A_478 = arith.addf %get3A_473, %get3A_477 : vector<16xf32>
        %get3A_479 = arith.index_cast %add3A_384 : i32 to index
        %get3A_480 = arith.constant 48 : index
        %get3A_481 = tpu.vector_load %arg33[%get3A_479, %get3A_480] {strides = array<i32>} : memref<128x64xf32, #tpu.memory_space<vmem>>, vector<1x16xf32>,
        %get3A_482 = vector.shape_cast %get3A_481 : vector<1x16xf32> to vector<16xf32>
        %add3A_483 = arith.addf %add3A_478, %get3A_482 : vector<16xf32>
        %get3A_484 = arith.index_cast %add3A_384 : i32 to index
        %get3A_485 = arith.constant 48 : index
        %get3A_486 = tpu.vector_load %arg34[%get3A_484, %get3A_485] {strides = array<i32>} : memref<128x64xf32, #tpu.memory_space<vmem>>, vector<1x16xf32>,
        %get3A_487 = vector.shape_cast %get3A_486 : vector<1x16xf32> to vector<16xf32>
        %add3A_488 = arith.addf %add3A_483, %get3A_487 : vector<16xf32>
        %get3A_489 = arith.index_cast %add3A_384 : i32 to index
        %get3A_490 = arith.constant 48 : index
        %get3A_491 = tpu.vector_load %arg35[%get3A_489, %get3A_490] {strides = array<i32>} : memref<128x64xf32, #tpu.memory_space<vmem>>, vector<1x16xf32>,
        %get3A_492 = vector.shape_cast %get3A_491 : vector<1x16xf32> to vector<16xf32>
        %add3A_493 = arith.addf %add3A_488, %get3A_492 : vector<16xf32>
        %swap3A_494 = arith.index_cast %add3A_384 : i32 to index
        %swap3A_495 = arith.constant 48 : index
        %swap3A_496 = tpu.vector_load %arg31[%swap3A_494, %swap3A_495] {strides = array<i32>} : memref<128x64xf32, #tpu.memory_space<vmem>>, vector<1x16xf32>,
        %swap3A_497 = vector.shape_cast %swap3A_496 : vector<1x16xf32> to vector<16xf32>
        %swap3A_498 = vector.shape_cast %add3A_493 : vector<16xf32> to vector<1x16xf32>
        tpu.vector_store %arg31[%swap3A_494, %swap3A_495], %swap3A_498 {strides = array<i32>} : memref<128x64xf32, #tpu.memory_space<vmem>>, vector<1x16xf32>,
      }
      %scan3A_248 = arith.constant 104 : i32
      %add3A_249 = arith.constant 0 : i32
      %add3A_250 = arith.addi %mul3A_137, %add3A_249 : i32
      %dma_start3A_251 = arith.constant 0 : i32
      %dma_start3A_252 = arith.constant 0 : i32
      %dma_start3A_253 = tpu.memref_slice %arg31[%dma_start3A_251, %dma_start3A_252] : memref<128x64xf32, #tpu.memory_space<vmem>> -> memref<104x64xf32, #tpu.memory_space<vmem>>
      %dma_start3A_254 = tpu.memref_slice %arg24[%add3A_250, %mul3A_153] : memref<102400x128xf32, #tpu.memory_space<hbm>> -> memref<104x64xf32, #tpu.memory_space<hbm>>
      %dma_start3A_255 = tpu.memref_slice %arg24[%add3A_250, %mul3A_153] : memref<102400x128xf32, #tpu.memory_space<hbm>> -> memref<104x64xf32, #tpu.memory_space<hbm>>
      %dma_start3A_256 = arith.constant 0 : i32
      %dma_start3A_257 = arith.constant 0 : i32
      %dma_start3A_258 = tpu.memref_slice %arg31[%dma_start3A_256, %dma_start3A_257] : memref<128x64xf32, #tpu.memory_space<vmem>> -> memref<104x64xf32, #tpu.memory_space<vmem>>
      tpu.enqueue_dma source(%dma_start3A_258 : memref<104x64xf32, #tpu.memory_space<vmem>>) target(%dma_start3A_255 : memref<104x64xf32, #tpu.memory_space<hbm>>) target_semaphore(%arg50 : memref<!tpu.dma_semaphore, #tpu.memory_space<semaphore_mem>>)
      %dma_wait3A_259 = arith.constant 0 : i32
      %dma_wait3A_260 = arith.constant 0 : i32
      %dma_wait3A_261 = tpu.memref_slice %arg31[%dma_wait3A_259, %dma_wait3A_260] : memref<128x64xf32, #tpu.memory_space<vmem>> -> memref<104x64xf32, #tpu.memory_space<vmem>>
      %dma_wait3A_262 = tpu.memref_slice %arg24[%add3A_250, %mul3A_153] : memref<102400x128xf32, #tpu.memory_space<hbm>> -> memref<104x64xf32, #tpu.memory_space<hbm>>
      %dma_wait3A_263 = tpu.memref_slice %arg24[%add3A_250, %mul3A_153] : memref<102400x128xf32, #tpu.memory_space<hbm>> -> memref<104x64xf32, #tpu.memory_space<hbm>>
      %dma_wait3A_264 = arith.constant 0 : i32
      %dma_wait3A_265 = arith.constant 0 : i32
      %dma_wait3A_266 = tpu.memref_slice %arg31[%dma_wait3A_264, %dma_wait3A_265] : memref<128x64xf32, #tpu.memory_space<vmem>> -> memref<104x64xf32, #tpu.memory_space<vmem>>
      tpu.wait_dma2 semaphore(%arg50 : memref<!tpu.dma_semaphore, #tpu.memory_space<semaphore_mem>>) src(%dma_wait3A_266 : memref<104x64xf32, #tpu.memory_space<vmem>>) dst(%dma_wait3A_263 : memref<104x64xf32, #tpu.memory_space<hbm>>)
      %dma_start3A_267 = arith.constant 0 : i32
      %dma_start3A_268 = arith.constant 0 : i32
      %dma_start3A_269 = tpu.memref_slice %arg31[%dma_start3A_267, %dma_start3A_268] : memref<128x64xf32, #tpu.memory_space<vmem>> -> memref<96x64xf32, #tpu.memory_space<vmem>>
      %dma_start3A_270 = arith.constant 104 : i32
      %dma_start3A_271 = tpu.memref_slice %arg26[%add3A_108, %dma_start3A_270] : memref<32x200xi32, #tpu.memory_space<vmem>> -> memref<1x96xi32, #tpu.memory_space<vmem>>
      %dma_start3A_272 = tpu.memref_squeeze %dma_start3A_271 : memref<1x96xi32, #tpu.memory_space<vmem>> -> memref<96xi32, #tpu.memory_space<vmem>>
      %dma_start3A_273 = arith.constant 0 : i32
      %dma_start3A_274 = arith.constant 0 : i32
      %dma_start3A_275 = tpu.memref_slice %arg2[%dma_start3A_273, %dma_start3A_274] : memref<1000001x64xf32, #tpu.memory_space<hbm>> -> memref<1000001x64xf32, #tpu.memory_space<hbm>>
      tpu.enqueue_indirect_dma source(%dma_start3A_275 : memref<1000001x64xf32, #tpu.memory_space<hbm>>) target(%dma_start3A_269 : memref<96x64xf32, #tpu.memory_space<vmem>>) offsets(%dma_start3A_272 : memref<96xi32, #tpu.memory_space<vmem>>) semaphore(%arg49 : memref<!tpu.dma_semaphore, #tpu.memory_space<semaphore_mem>>)
      %dma_start3A_276 = arith.constant 0 : i32
      %dma_start3A_277 = arith.constant 0 : i32
      %dma_start3A_278 = tpu.memref_slice %arg32[%dma_start3A_276, %dma_start3A_277] : memref<128x64xf32, #tpu.memory_space<vmem>> -> memref<96x64xf32, #tpu.memory_space<vmem>>
      %dma_start3A_279 = arith.constant 104 : i32
      %dma_start3A_280 = tpu.memref_slice %arg27[%add3A_108, %dma_start3A_279] : memref<32x200xi32, #tpu.memory_space<vmem>> -> memref<1x96xi32, #tpu.memory_space<vmem>>
      %dma_start3A_281 = tpu.memref_squeeze %dma_start3A_280 : memref<1x96xi32, #tpu.memory_space<vmem>> -> memref<96xi32, #tpu.memory_space<vmem>>
      %dma_start3A_282 = arith.constant 0 : i32
      %dma_start3A_283 = arith.constant 0 : i32
      %dma_start3A_284 = tpu.memref_slice %arg3[%dma_start3A_282, %dma_start3A_283] : memref<10001x64xf32, #tpu.memory_space<hbm>> -> memref<10001x64xf32, #tpu.memory_space<hbm>>
      tpu.enqueue_indirect_dma source(%dma_start3A_284 : memref<10001x64xf32, #tpu.memory_space<hbm>>) target(%dma_start3A_278 : memref<96x64xf32, #tpu.memory_space<vmem>>) offsets(%dma_start3A_281 : memref<96xi32, #tpu.memory_space<vmem>>) semaphore(%arg49 : memref<!tpu.dma_semaphore, #tpu.memory_space<semaphore_mem>>)
      %dma_start3A_285 = arith.constant 0 : i32
      %dma_start3A_286 = arith.constant 0 : i32
      %dma_start3A_287 = tpu.memref_slice %arg33[%dma_start3A_285, %dma_start3A_286] : memref<128x64xf32, #tpu.memory_space<vmem>> -> memref<96x64xf32, #tpu.memory_space<vmem>>
      %dma_start3A_288 = arith.constant 104 : i32
      %dma_start3A_289 = tpu.memref_slice %arg28[%add3A_108, %dma_start3A_288] : memref<32x200xi32, #tpu.memory_space<vmem>> -> memref<1x96xi32, #tpu.memory_space<vmem>>
      %dma_start3A_290 = tpu.memref_squeeze %dma_start3A_289 : memref<1x96xi32, #tpu.memory_space<vmem>> -> memref<96xi32, #tpu.memory_space<vmem>>
      %dma_start3A_291 = arith.constant 0 : i32
      %dma_start3A_292 = arith.constant 0 : i32
      %dma_start3A_293 = tpu.memref_slice %arg4[%dma_start3A_291, %dma_start3A_292] : memref<2001x64xf32, #tpu.memory_space<hbm>> -> memref<2001x64xf32, #tpu.memory_space<hbm>>
      tpu.enqueue_indirect_dma source(%dma_start3A_293 : memref<2001x64xf32, #tpu.memory_space<hbm>>) target(%dma_start3A_287 : memref<96x64xf32, #tpu.memory_space<vmem>>) offsets(%dma_start3A_290 : memref<96xi32, #tpu.memory_space<vmem>>) semaphore(%arg49 : memref<!tpu.dma_semaphore, #tpu.memory_space<semaphore_mem>>)
      %dma_start3A_294 = arith.constant 0 : i32
      %dma_start3A_295 = arith.constant 0 : i32
      %dma_start3A_296 = tpu.memref_slice %arg34[%dma_start3A_294, %dma_start3A_295] : memref<128x64xf32, #tpu.memory_space<vmem>> -> memref<96x64xf32, #tpu.memory_space<vmem>>
      %dma_start3A_297 = arith.constant 104 : i32
      %dma_start3A_298 = tpu.memref_slice %arg29[%add3A_108, %dma_start3A_297] : memref<32x200xi32, #tpu.memory_space<vmem>> -> memref<1x96xi32, #tpu.memory_space<vmem>>
      %dma_start3A_299 = tpu.memref_squeeze %dma_start3A_298 : memref<1x96xi32, #tpu.memory_space<vmem>> -> memref<96xi32, #tpu.memory_space<vmem>>
      %dma_start3A_300 = arith.constant 0 : i32
      %dma_start3A_301 = arith.constant 0 : i32
      %dma_start3A_302 = tpu.memref_slice %arg5[%dma_start3A_300, %dma_start3A_301] : memref<2525x64xf32, #tpu.memory_space<hbm>> -> memref<2525x64xf32, #tpu.memory_space<hbm>>
      tpu.enqueue_indirect_dma source(%dma_start3A_302 : memref<2525x64xf32, #tpu.memory_space<hbm>>) target(%dma_start3A_296 : memref<96x64xf32, #tpu.memory_space<vmem>>) offsets(%dma_start3A_299 : memref<96xi32, #tpu.memory_space<vmem>>) semaphore(%arg49 : memref<!tpu.dma_semaphore, #tpu.memory_space<semaphore_mem>>)
      %dma_start3A_303 = arith.constant 0 : i32
      %dma_start3A_304 = arith.constant 0 : i32
      %dma_start3A_305 = tpu.memref_slice %arg35[%dma_start3A_303, %dma_start3A_304] : memref<128x64xf32, #tpu.memory_space<vmem>> -> memref<96x64xf32, #tpu.memory_space<vmem>>
      %dma_start3A_306 = arith.constant 104 : i32
      %dma_start3A_307 = tpu.memref_slice %arg30[%add3A_108, %dma_start3A_306] : memref<32x200xi32, #tpu.memory_space<vmem>> -> memref<1x96xi32, #tpu.memory_space<vmem>>
      %dma_start3A_308 = tpu.memref_squeeze %dma_start3A_307 : memref<1x96xi32, #tpu.memory_space<vmem>> -> memref<96xi32, #tpu.memory_space<vmem>>
      %dma_start3A_309 = arith.constant 0 : i32
      %dma_start3A_310 = arith.constant 0 : i32
      %dma_start3A_311 = tpu.memref_slice %arg6[%dma_start3A_309, %dma_start3A_310] : memref<8008x64xf32, #tpu.memory_space<hbm>> -> memref<8008x64xf32, #tpu.memory_space<hbm>>
      tpu.enqueue_indirect_dma source(%dma_start3A_311 : memref<8008x64xf32, #tpu.memory_space<hbm>>) target(%dma_start3A_305 : memref<96x64xf32, #tpu.memory_space<vmem>>) offsets(%dma_start3A_308 : memref<96xi32, #tpu.memory_space<vmem>>) semaphore(%arg49 : memref<!tpu.dma_semaphore, #tpu.memory_space<semaphore_mem>>)
      %dma_wait3A_312 = arith.constant 0 : i32
      %dma_wait3A_313 = arith.constant 0 : i32
      %dma_wait3A_314 = tpu.memref_slice %arg31[%dma_wait3A_312, %dma_wait3A_313] : memref<128x64xf32, #tpu.memory_space<vmem>> -> memref<96x64xf32, #tpu.memory_space<vmem>>
      %dma_wait3A_315 = arith.constant 104 : i32
      %dma_wait3A_316 = tpu.memref_slice %arg26[%add3A_108, %dma_wait3A_315] : memref<32x200xi32, #tpu.memory_space<vmem>> -> memref<1x96xi32, #tpu.memory_space<vmem>>
      %dma_wait3A_317 = tpu.memref_squeeze %dma_wait3A_316 : memref<1x96xi32, #tpu.memory_space<vmem>> -> memref<96xi32, #tpu.memory_space<vmem>>
      %dma_wait3A_318 = arith.constant 0 : i32
      %dma_wait3A_319 = arith.constant 0 : i32
      %dma_wait3A_320 = tpu.memref_slice %arg2[%dma_wait3A_318, %dma_wait3A_319] : memref<1000001x64xf32, #tpu.memory_space<hbm>> -> memref<1000001x64xf32, #tpu.memory_space<hbm>>
      tpu.wait_indirect_dma semaphore(%arg49 : memref<!tpu.dma_semaphore, #tpu.memory_space<semaphore_mem>>) src(%dma_wait3A_320 : memref<1000001x64xf32, #tpu.memory_space<hbm>>) dst(%dma_wait3A_314 : memref<96x64xf32, #tpu.memory_space<vmem>>)
      %dma_wait3A_321 = arith.constant 0 : i32
      %dma_wait3A_322 = arith.constant 0 : i32
      %dma_wait3A_323 = tpu.memref_slice %arg32[%dma_wait3A_321, %dma_wait3A_322] : memref<128x64xf32, #tpu.memory_space<vmem>> -> memref<96x64xf32, #tpu.memory_space<vmem>>
      %dma_wait3A_324 = arith.constant 104 : i32
      %dma_wait3A_325 = tpu.memref_slice %arg27[%add3A_108, %dma_wait3A_324] : memref<32x200xi32, #tpu.memory_space<vmem>> -> memref<1x96xi32, #tpu.memory_space<vmem>>
      %dma_wait3A_326 = tpu.memref_squeeze %dma_wait3A_325 : memref<1x96xi32, #tpu.memory_space<vmem>> -> memref<96xi32, #tpu.memory_space<vmem>>
      %dma_wait3A_327 = arith.constant 0 : i32
      %dma_wait3A_328 = arith.constant 0 : i32
      %dma_wait3A_329 = tpu.memref_slice %arg3[%dma_wait3A_327, %dma_wait3A_328] : memref<10001x64xf32, #tpu.memory_space<hbm>> -> memref<10001x64xf32, #tpu.memory_space<hbm>>
      tpu.wait_indirect_dma semaphore(%arg49 : memref<!tpu.dma_semaphore, #tpu.memory_space<semaphore_mem>>) src(%dma_wait3A_329 : memref<10001x64xf32, #tpu.memory_space<hbm>>) dst(%dma_wait3A_323 : memref<96x64xf32, #tpu.memory_space<vmem>>)
      %dma_wait3A_330 = arith.constant 0 : i32
      %dma_wait3A_331 = arith.constant 0 : i32
      %dma_wait3A_332 = tpu.memref_slice %arg33[%dma_wait3A_330, %dma_wait3A_331] : memref<128x64xf32, #tpu.memory_space<vmem>> -> memref<96x64xf32, #tpu.memory_space<vmem>>
      %dma_wait3A_333 = arith.constant 104 : i32
      %dma_wait3A_334 = tpu.memref_slice %arg28[%add3A_108, %dma_wait3A_333] : memref<32x200xi32, #tpu.memory_space<vmem>> -> memref<1x96xi32, #tpu.memory_space<vmem>>
      %dma_wait3A_335 = tpu.memref_squeeze %dma_wait3A_334 : memref<1x96xi32, #tpu.memory_space<vmem>> -> memref<96xi32, #tpu.memory_space<vmem>>
      %dma_wait3A_336 = arith.constant 0 : i32
      %dma_wait3A_337 = arith.constant 0 : i32
      %dma_wait3A_338 = tpu.memref_slice %arg4[%dma_wait3A_336, %dma_wait3A_337] : memref<2001x64xf32, #tpu.memory_space<hbm>> -> memref<2001x64xf32, #tpu.memory_space<hbm>>
      tpu.wait_indirect_dma semaphore(%arg49 : memref<!tpu.dma_semaphore, #tpu.memory_space<semaphore_mem>>) src(%dma_wait3A_338 : memref<2001x64xf32, #tpu.memory_space<hbm>>) dst(%dma_wait3A_332 : memref<96x64xf32, #tpu.memory_space<vmem>>)
      %dma_wait3A_339 = arith.constant 0 : i32
      %dma_wait3A_340 = arith.constant 0 : i32
      %dma_wait3A_341 = tpu.memref_slice %arg34[%dma_wait3A_339, %dma_wait3A_340] : memref<128x64xf32, #tpu.memory_space<vmem>> -> memref<96x64xf32, #tpu.memory_space<vmem>>
      %dma_wait3A_342 = arith.constant 104 : i32
      %dma_wait3A_343 = tpu.memref_slice %arg29[%add3A_108, %dma_wait3A_342] : memref<32x200xi32, #tpu.memory_space<vmem>> -> memref<1x96xi32, #tpu.memory_space<vmem>>
      %dma_wait3A_344 = tpu.memref_squeeze %dma_wait3A_343 : memref<1x96xi32, #tpu.memory_space<vmem>> -> memref<96xi32, #tpu.memory_space<vmem>>
      %dma_wait3A_345 = arith.constant 0 : i32
      %dma_wait3A_346 = arith.constant 0 : i32
      %dma_wait3A_347 = tpu.memref_slice %arg5[%dma_wait3A_345, %dma_wait3A_346] : memref<2525x64xf32, #tpu.memory_space<hbm>> -> memref<2525x64xf32, #tpu.memory_space<hbm>>
      tpu.wait_indirect_dma semaphore(%arg49 : memref<!tpu.dma_semaphore, #tpu.memory_space<semaphore_mem>>) src(%dma_wait3A_347 : memref<2525x64xf32, #tpu.memory_space<hbm>>) dst(%dma_wait3A_341 : memref<96x64xf32, #tpu.memory_space<vmem>>)
      %dma_wait3A_348 = arith.constant 0 : i32
      %dma_wait3A_349 = arith.constant 0 : i32
      %dma_wait3A_350 = tpu.memref_slice %arg35[%dma_wait3A_348, %dma_wait3A_349] : memref<128x64xf32, #tpu.memory_space<vmem>> -> memref<96x64xf32, #tpu.memory_space<vmem>>
      %dma_wait3A_351 = arith.constant 104 : i32
      %dma_wait3A_352 = tpu.memref_slice %arg30[%add3A_108, %dma_wait3A_351] : memref<32x200xi32, #tpu.memory_space<vmem>> -> memref<1x96xi32, #tpu.memory_space<vmem>>
      %dma_wait3A_353 = tpu.memref_squeeze %dma_wait3A_352 : memref<1x96xi32, #tpu.memory_space<vmem>> -> memref<96xi32, #tpu.memory_space<vmem>>
      %dma_wait3A_354 = arith.constant 0 : i32
      %dma_wait3A_355 = arith.constant 0 : i32
      %dma_wait3A_356 = tpu.memref_slice %arg6[%dma_wait3A_354, %dma_wait3A_355] : memref<8008x64xf32, #tpu.memory_space<hbm>> -> memref<8008x64xf32, #tpu.memory_space<hbm>>
      tpu.wait_indirect_dma semaphore(%arg49 : memref<!tpu.dma_semaphore, #tpu.memory_space<semaphore_mem>>) src(%dma_wait3A_356 : memref<8008x64xf32, #tpu.memory_space<hbm>>) dst(%dma_wait3A_350 : memref<96x64xf32, #tpu.memory_space<vmem>>)
      %scan3A_357 = arith.constant 0 : i32
      %scan3A_358 = arith.constant 96 : i32
      %scan3A_359 = arith.addi %scan3A_357, %scan3A_358 : i32
      %scan3A_360 = arith.constant 1 : i32
      scf.for %scan3A_380 = %scan3A_357 to %scan3A_359 step %scan3A_360  : i32 {
        %mul3A_381 = arith.constant 1 : i32
        %mul3A_382 = arith.muli %scan3A_380, %mul3A_381 : i32
        %add3A_383 = arith.constant 0 : i32
        %add3A_384 = arith.addi %add3A_383, %mul3A_382 : i32
        %get3A = arith.index_cast %add3A_384 : i32 to index
        %get3A_385 = arith.constant 0 : index
        %get3A_386 = tpu.vector_load %arg31[%get3A, %get3A_385] {strides = array<i32>} : memref<128x64xf32, #tpu.memory_space<vmem>>, vector<1x16xf32>,
        %get3A_387 = vector.shape_cast %get3A_386 : vector<1x16xf32> to vector<16xf32>
        %get3A_388 = arith.index_cast %add3A_384 : i32 to index
        %get3A_389 = arith.constant 0 : index
        %get3A_390 = tpu.vector_load %arg32[%get3A_388, %get3A_389] {strides = array<i32>} : memref<128x64xf32, #tpu.memory_space<vmem>>, vector<1x16xf32>,
        %get3A_391 = vector.shape_cast %get3A_390 : vector<1x16xf32> to vector<16xf32>
        %add3A_392 = arith.addf %get3A_387, %get3A_391 : vector<16xf32>
        %get3A_393 = arith.index_cast %add3A_384 : i32 to index
        %get3A_394 = arith.constant 0 : index
        %get3A_395 = tpu.vector_load %arg33[%get3A_393, %get3A_394] {strides = array<i32>} : memref<128x64xf32, #tpu.memory_space<vmem>>, vector<1x16xf32>,
        %get3A_396 = vector.shape_cast %get3A_395 : vector<1x16xf32> to vector<16xf32>
        %add3A_397 = arith.addf %add3A_392, %get3A_396 : vector<16xf32>
        %get3A_398 = arith.index_cast %add3A_384 : i32 to index
        %get3A_399 = arith.constant 0 : index
        %get3A_400 = tpu.vector_load %arg34[%get3A_398, %get3A_399] {strides = array<i32>} : memref<128x64xf32, #tpu.memory_space<vmem>>, vector<1x16xf32>,
        %get3A_401 = vector.shape_cast %get3A_400 : vector<1x16xf32> to vector<16xf32>
        %add3A_402 = arith.addf %add3A_397, %get3A_401 : vector<16xf32>
        %get3A_403 = arith.index_cast %add3A_384 : i32 to index
        %get3A_404 = arith.constant 0 : index
        %get3A_405 = tpu.vector_load %arg35[%get3A_403, %get3A_404] {strides = array<i32>} : memref<128x64xf32, #tpu.memory_space<vmem>>, vector<1x16xf32>,
        %get3A_406 = vector.shape_cast %get3A_405 : vector<1x16xf32> to vector<16xf32>
        %add3A_407 = arith.addf %add3A_402, %get3A_406 : vector<16xf32>
        %swap3A = arith.index_cast %add3A_384 : i32 to index
        %swap3A_408 = arith.constant 0 : index
        %swap3A_409 = tpu.vector_load %arg31[%swap3A, %swap3A_408] {strides = array<i32>} : memref<128x64xf32, #tpu.memory_space<vmem>>, vector<1x16xf32>,
        %swap3A_410 = vector.shape_cast %swap3A_409 : vector<1x16xf32> to vector<16xf32>
        %swap3A_411 = vector.shape_cast %add3A_407 : vector<16xf32> to vector<1x16xf32>
        tpu.vector_store %arg31[%swap3A, %swap3A_408], %swap3A_411 {strides = array<i32>} : memref<128x64xf32, #tpu.memory_space<vmem>>, vector<1x16xf32>,
        %get3A_412 = arith.index_cast %add3A_384 : i32 to index
        %get3A_413 = arith.constant 16 : index
        %get3A_414 = tpu.vector_load %arg31[%get3A_412, %get3A_413] {strides = array<i32>} : memref<128x64xf32, #tpu.memory_space<vmem>>, vector<1x16xf32>,
        %get3A_415 = vector.shape_cast %get3A_414 : vector<1x16xf32> to vector<16xf32>
        %get3A_416 = arith.index_cast %add3A_384 : i32 to index
        %get3A_417 = arith.constant 16 : index
        %get3A_418 = tpu.vector_load %arg32[%get3A_416, %get3A_417] {strides = array<i32>} : memref<128x64xf32, #tpu.memory_space<vmem>>, vector<1x16xf32>,
        %get3A_419 = vector.shape_cast %get3A_418 : vector<1x16xf32> to vector<16xf32>
        %add3A_420 = arith.addf %get3A_415, %get3A_419 : vector<16xf32>
        %get3A_421 = arith.index_cast %add3A_384 : i32 to index
        %get3A_422 = arith.constant 16 : index
        %get3A_423 = tpu.vector_load %arg33[%get3A_421, %get3A_422] {strides = array<i32>} : memref<128x64xf32, #tpu.memory_space<vmem>>, vector<1x16xf32>,
        %get3A_424 = vector.shape_cast %get3A_423 : vector<1x16xf32> to vector<16xf32>
        %add3A_425 = arith.addf %add3A_420, %get3A_424 : vector<16xf32>
        %get3A_426 = arith.index_cast %add3A_384 : i32 to index
        %get3A_427 = arith.constant 16 : index
        %get3A_428 = tpu.vector_load %arg34[%get3A_426, %get3A_427] {strides = array<i32>} : memref<128x64xf32, #tpu.memory_space<vmem>>, vector<1x16xf32>,
        %get3A_429 = vector.shape_cast %get3A_428 : vector<1x16xf32> to vector<16xf32>
        %add3A_430 = arith.addf %add3A_425, %get3A_429 : vector<16xf32>
        %get3A_431 = arith.index_cast %add3A_384 : i32 to index
        %get3A_432 = arith.constant 16 : index
        %get3A_433 = tpu.vector_load %arg35[%get3A_431, %get3A_432] {strides = array<i32>} : memref<128x64xf32, #tpu.memory_space<vmem>>, vector<1x16xf32>,
        %get3A_434 = vector.shape_cast %get3A_433 : vector<1x16xf32> to vector<16xf32>
        %add3A_435 = arith.addf %add3A_430, %get3A_434 : vector<16xf32>
        %swap3A_436 = arith.index_cast %add3A_384 : i32 to index
        %swap3A_437 = arith.constant 16 : index
        %swap3A_438 = tpu.vector_load %arg31[%swap3A_436, %swap3A_437] {strides = array<i32>} : memref<128x64xf32, #tpu.memory_space<vmem>>, vector<1x16xf32>,
        %swap3A_439 = vector.shape_cast %swap3A_438 : vector<1x16xf32> to vector<16xf32>
        %swap3A_440 = vector.shape_cast %add3A_435 : vector<16xf32> to vector<1x16xf32>
        tpu.vector_store %arg31[%swap3A_436, %swap3A_437], %swap3A_440 {strides = array<i32>} : memref<128x64xf32, #tpu.memory_space<vmem>>, vector<1x16xf32>,
        %get3A_441 = arith.index_cast %add3A_384 : i32 to index
        %get3A_442 = arith.constant 32 : index
        %get3A_443 = tpu.vector_load %arg31[%get3A_441, %get3A_442] {strides = array<i32>} : memref<128x64xf32, #tpu.memory_space<vmem>>, vector<1x16xf32>,
        %get3A_444 = vector.shape_cast %get3A_443 : vector<1x16xf32> to vector<16xf32>
        %get3A_445 = arith.index_cast %add3A_384 : i32 to index
        %get3A_446 = arith.constant 32 : index
        %get3A_447 = tpu.vector_load %arg32[%get3A_445, %get3A_446] {strides = array<i32>} : memref<128x64xf32, #tpu.memory_space<vmem>>, vector<1x16xf32>,
        %get3A_448 = vector.shape_cast %get3A_447 : vector<1x16xf32> to vector<16xf32>
        %add3A_449 = arith.addf %get3A_444, %get3A_448 : vector<16xf32>
        %get3A_450 = arith.index_cast %add3A_384 : i32 to index
        %get3A_451 = arith.constant 32 : index
        %get3A_452 = tpu.vector_load %arg33[%get3A_450, %get3A_451] {strides = array<i32>} : memref<128x64xf32, #tpu.memory_space<vmem>>, vector<1x16xf32>,
        %get3A_453 = vector.shape_cast %get3A_452 : vector<1x16xf32> to vector<16xf32>
        %add3A_454 = arith.addf %add3A_449, %get3A_453 : vector<16xf32>
        %get3A_455 = arith.index_cast %add3A_384 : i32 to index
        %get3A_456 = arith.constant 32 : index
        %get3A_457 = tpu.vector_load %arg34[%get3A_455, %get3A_456] {strides = array<i32>} : memref<128x64xf32, #tpu.memory_space<vmem>>, vector<1x16xf32>,
        %get3A_458 = vector.shape_cast %get3A_457 : vector<1x16xf32> to vector<16xf32>
        %add3A_459 = arith.addf %add3A_454, %get3A_458 : vector<16xf32>
        %get3A_460 = arith.index_cast %add3A_384 : i32 to index
        %get3A_461 = arith.constant 32 : index
        %get3A_462 = tpu.vector_load %arg35[%get3A_460, %get3A_461] {strides = array<i32>} : memref<128x64xf32, #tpu.memory_space<vmem>>, vector<1x16xf32>,
        %get3A_463 = vector.shape_cast %get3A_462 : vector<1x16xf32> to vector<16xf32>
        %add3A_464 = arith.addf %add3A_459, %get3A_463 : vector<16xf32>
        %swap3A_465 = arith.index_cast %add3A_384 : i32 to index
        %swap3A_466 = arith.constant 32 : index
        %swap3A_467 = tpu.vector_load %arg31[%swap3A_465, %swap3A_466] {strides = array<i32>} : memref<128x64xf32, #tpu.memory_space<vmem>>, vector<1x16xf32>,
        %swap3A_468 = vector.shape_cast %swap3A_467 : vector<1x16xf32> to vector<16xf32>
        %swap3A_469 = vector.shape_cast %add3A_464 : vector<16xf32> to vector<1x16xf32>
        tpu.vector_store %arg31[%swap3A_465, %swap3A_466], %swap3A_469 {strides = array<i32>} : memref<128x64xf32, #tpu.memory_space<vmem>>, vector<1x16xf32>,
        %get3A_470 = arith.index_cast %add3A_384 : i32 to index
        %get3A_471 = arith.constant 48 : index
        %get3A_472 = tpu.vector_load %arg31[%get3A_470, %get3A_471] {strides = array<i32>} : memref<128x64xf32, #tpu.memory_space<vmem>>, vector<1x16xf32>,
        %get3A_473 = vector.shape_cast %get3A_472 : vector<1x16xf32> to vector<16xf32>
        %get3A_474 = arith.index_cast %add3A_384 : i32 to index
        %get3A_475 = arith.constant 48 : index
        %get3A_476 = tpu.vector_load %arg32[%get3A_474, %get3A_475] {strides = array<i32>} : memref<128x64xf32, #tpu.memory_space<vmem>>, vector<1x16xf32>,
        %get3A_477 = vector.shape_cast %get3A_476 : vector<1x16xf32> to vector<16xf32>
        %add3A_478 = arith.addf %get3A_473, %get3A_477 : vector<16xf32>
        %get3A_479 = arith.index_cast %add3A_384 : i32 to index
        %get3A_480 = arith.constant 48 : index
        %get3A_481 = tpu.vector_load %arg33[%get3A_479, %get3A_480] {strides = array<i32>} : memref<128x64xf32, #tpu.memory_space<vmem>>, vector<1x16xf32>,
        %get3A_482 = vector.shape_cast %get3A_481 : vector<1x16xf32> to vector<16xf32>
        %add3A_483 = arith.addf %add3A_478, %get3A_482 : vector<16xf32>
        %get3A_484 = arith.index_cast %add3A_384 : i32 to index
        %get3A_485 = arith.constant 48 : index
        %get3A_486 = tpu.vector_load %arg34[%get3A_484, %get3A_485] {strides = array<i32>} : memref<128x64xf32, #tpu.memory_space<vmem>>, vector<1x16xf32>,
        %get3A_487 = vector.shape_cast %get3A_486 : vector<1x16xf32> to vector<16xf32>
        %add3A_488 = arith.addf %add3A_483, %get3A_487 : vector<16xf32>
        %get3A_489 = arith.index_cast %add3A_384 : i32 to index
        %get3A_490 = arith.constant 48 : index
        %get3A_491 = tpu.vector_load %arg35[%get3A_489, %get3A_490] {strides = array<i32>} : memref<128x64xf32, #tpu.memory_space<vmem>>, vector<1x16xf32>,
        %get3A_492 = vector.shape_cast %get3A_491 : vector<1x16xf32> to vector<16xf32>
        %add3A_493 = arith.addf %add3A_488, %get3A_492 : vector<16xf32>
        %swap3A_494 = arith.index_cast %add3A_384 : i32 to index
        %swap3A_495 = arith.constant 48 : index
        %swap3A_496 = tpu.vector_load %arg31[%swap3A_494, %swap3A_495] {strides = array<i32>} : memref<128x64xf32, #tpu.memory_space<vmem>>, vector<1x16xf32>,
        %swap3A_497 = vector.shape_cast %swap3A_496 : vector<1x16xf32> to vector<16xf32>
        %swap3A_498 = vector.shape_cast %add3A_493 : vector<16xf32> to vector<1x16xf32>
        tpu.vector_store %arg31[%swap3A_494, %swap3A_495], %swap3A_498 {strides = array<i32>} : memref<128x64xf32, #tpu.memory_space<vmem>>, vector<1x16xf32>,
      }
      %scan3A_361 = arith.constant 96 : i32
      %add3A_362 = arith.constant 104 : i32
      %add3A_363 = arith.addi %mul3A_137, %add3A_362 : i32
      %dma_start3A_364 = arith.constant 0 : i32
      %dma_start3A_365 = arith.constant 0 : i32
      %dma_start3A_366 = tpu.memref_slice %arg31[%dma_start3A_364, %dma_start3A_365] : memref<128x64xf32, #tpu.memory_space<vmem>> -> memref<96x64xf32, #tpu.memory_space<vmem>>
      %dma_start3A_367 = tpu.memref_slice %arg24[%add3A_363, %mul3A_153] : memref<102400x128xf32, #tpu.memory_space<hbm>> -> memref<96x64xf32, #tpu.memory_space<hbm>>
      %dma_start3A_368 = tpu.memref_slice %arg24[%add3A_363, %mul3A_153] : memref<102400x128xf32, #tpu.memory_space<hbm>> -> memref<96x64xf32, #tpu.memory_space<hbm>>
      %dma_start3A_369 = arith.constant 0 : i32
      %dma_start3A_370 = arith.constant 0 : i32
      %dma_start3A_371 = tpu.memref_slice %arg31[%dma_start3A_369, %dma_start3A_370] : memref<128x64xf32, #tpu.memory_space<vmem>> -> memref<96x64xf32, #tpu.memory_space<vmem>>
      tpu.enqueue_dma source(%dma_start3A_371 : memref<96x64xf32, #tpu.memory_space<vmem>>) target(%dma_start3A_368 : memref<96x64xf32, #tpu.memory_space<hbm>>) target_semaphore(%arg50 : memref<!tpu.dma_semaphore, #tpu.memory_space<semaphore_mem>>)
      %dma_wait3A_372 = arith.constant 0 : i32
      %dma_wait3A_373 = arith.constant 0 : i32
      %dma_wait3A_374 = tpu.memref_slice %arg31[%dma_wait3A_372, %dma_wait3A_373] : memref<128x64xf32, #tpu.memory_space<vmem>> -> memref<96x64xf32, #tpu.memory_space<vmem>>
      %dma_wait3A_375 = tpu.memref_slice %arg24[%add3A_363, %mul3A_153] : memref<102400x128xf32, #tpu.memory_space<hbm>> -> memref<96x64xf32, #tpu.memory_space<hbm>>
      %dma_wait3A_376 = tpu.memref_slice %arg24[%add3A_363, %mul3A_153] : memref<102400x128xf32, #tpu.memory_space<hbm>> -> memref<96x64xf32, #tpu.memory_space<hbm>>
      %dma_wait3A_377 = arith.constant 0 : i32
      %dma_wait3A_378 = arith.constant 0 : i32
      %dma_wait3A_379 = tpu.memref_slice %arg31[%dma_wait3A_377, %dma_wait3A_378] : memref<128x64xf32, #tpu.memory_space<vmem>> -> memref<96x64xf32, #tpu.memory_space<vmem>>
      tpu.wait_dma2 semaphore(%arg50 : memref<!tpu.dma_semaphore, #tpu.memory_space<semaphore_mem>>) src(%dma_wait3A_379 : memref<96x64xf32, #tpu.memory_space<vmem>>) dst(%dma_wait3A_376 : memref<96x64xf32, #tpu.memory_space<hbm>>)
    }
    %scan3A_44 = arith.constant 32 : i32
    %mul3A_45 = arith.constant 32 : i32
    %mul3A_46 = arith.muli %add3A, %mul3A_45 : i32
    "tpu.region"() ({
      %run_scoped3A = tpu.sem_alloc : memref<!tpu.dma_semaphore, #tpu.memory_space<semaphore_mem>>
      %dma_start3A_104 = tpu.memref_slice %arg18[%mul3A_46] : memref<1024xi32, #tpu.memory_space<hbm>> -> memref<32xi32, #tpu.memory_space<hbm>>
      %dma_start3A_105 = tpu.memref_slice %arg18[%mul3A_46] : memref<1024xi32, #tpu.memory_space<hbm>> -> memref<32xi32, #tpu.memory_space<hbm>>
      tpu.enqueue_dma source(%dma_start3A_105 : memref<32xi32, #tpu.memory_space<hbm>>) target(%arg36 : memref<32xi32, #tpu.memory_space<vmem>>) target_semaphore(%run_scoped3A : memref<!tpu.dma_semaphore, #tpu.memory_space<semaphore_mem>>)
      %dma_wait3A_106 = tpu.memref_slice %arg18[%mul3A_46] : memref<1024xi32, #tpu.memory_space<hbm>> -> memref<32xi32, #tpu.memory_space<hbm>>
      %dma_wait3A_107 = tpu.memref_slice %arg18[%mul3A_46] : memref<1024xi32, #tpu.memory_space<hbm>> -> memref<32xi32, #tpu.memory_space<hbm>>
      tpu.wait_dma2 semaphore(%run_scoped3A : memref<!tpu.dma_semaphore, #tpu.memory_space<semaphore_mem>>) src(%dma_wait3A_107 : memref<32xi32, #tpu.memory_space<hbm>>) dst(%arg36 : memref<32xi32, #tpu.memory_space<vmem>>)
      tpu.yield
    }) : () -> ()
    %dma_start3A_47 = arith.constant 0 : i32
    %dma_start3A_48 = arith.constant 0 : i32
    %dma_start3A_49 = tpu.memref_slice %arg12[%dma_start3A_47, %dma_start3A_48] : memref<6x64xf32, #tpu.memory_space<hbm>> -> memref<6x64xf32, #tpu.memory_space<hbm>>
    tpu.enqueue_indirect_dma source(%dma_start3A_49 : memref<6x64xf32, #tpu.memory_space<hbm>>) target(%arg42 : memref<32x64xf32, #tpu.memory_space<vmem>>) offsets(%arg36 : memref<32xi32, #tpu.memory_space<vmem>>) semaphore(%arg49 : memref<!tpu.dma_semaphore, #tpu.memory_space<semaphore_mem>>)
    "tpu.region"() ({
      %run_scoped3A = tpu.sem_alloc : memref<!tpu.dma_semaphore, #tpu.memory_space<semaphore_mem>>
      %dma_start3A_104 = tpu.memref_slice %arg19[%mul3A_46] : memref<1024xi32, #tpu.memory_space<hbm>> -> memref<32xi32, #tpu.memory_space<hbm>>
      %dma_start3A_105 = tpu.memref_slice %arg19[%mul3A_46] : memref<1024xi32, #tpu.memory_space<hbm>> -> memref<32xi32, #tpu.memory_space<hbm>>
      tpu.enqueue_dma source(%dma_start3A_105 : memref<32xi32, #tpu.memory_space<hbm>>) target(%arg37 : memref<32xi32, #tpu.memory_space<vmem>>) target_semaphore(%run_scoped3A : memref<!tpu.dma_semaphore, #tpu.memory_space<semaphore_mem>>)
      %dma_wait3A_106 = tpu.memref_slice %arg19[%mul3A_46] : memref<1024xi32, #tpu.memory_space<hbm>> -> memref<32xi32, #tpu.memory_space<hbm>>
      %dma_wait3A_107 = tpu.memref_slice %arg19[%mul3A_46] : memref<1024xi32, #tpu.memory_space<hbm>> -> memref<32xi32, #tpu.memory_space<hbm>>
      tpu.wait_dma2 semaphore(%run_scoped3A : memref<!tpu.dma_semaphore, #tpu.memory_space<semaphore_mem>>) src(%dma_wait3A_107 : memref<32xi32, #tpu.memory_space<hbm>>) dst(%arg37 : memref<32xi32, #tpu.memory_space<vmem>>)
      tpu.yield
    }) : () -> ()
    %dma_start3A_50 = arith.constant 0 : i32
    %dma_start3A_51 = arith.constant 0 : i32
    %dma_start3A_52 = tpu.memref_slice %arg13[%dma_start3A_50, %dma_start3A_51] : memref<11x64xf32, #tpu.memory_space<hbm>> -> memref<11x64xf32, #tpu.memory_space<hbm>>
    tpu.enqueue_indirect_dma source(%dma_start3A_52 : memref<11x64xf32, #tpu.memory_space<hbm>>) target(%arg43 : memref<32x64xf32, #tpu.memory_space<vmem>>) offsets(%arg37 : memref<32xi32, #tpu.memory_space<vmem>>) semaphore(%arg49 : memref<!tpu.dma_semaphore, #tpu.memory_space<semaphore_mem>>)
    "tpu.region"() ({
      %run_scoped3A = tpu.sem_alloc : memref<!tpu.dma_semaphore, #tpu.memory_space<semaphore_mem>>
      %dma_start3A_104 = tpu.memref_slice %arg20[%mul3A_46] : memref<1024xi32, #tpu.memory_space<hbm>> -> memref<32xi32, #tpu.memory_space<hbm>>
      %dma_start3A_105 = tpu.memref_slice %arg20[%mul3A_46] : memref<1024xi32, #tpu.memory_space<hbm>> -> memref<32xi32, #tpu.memory_space<hbm>>
      tpu.enqueue_dma source(%dma_start3A_105 : memref<32xi32, #tpu.memory_space<hbm>>) target(%arg38 : memref<32xi32, #tpu.memory_space<vmem>>) target_semaphore(%run_scoped3A : memref<!tpu.dma_semaphore, #tpu.memory_space<semaphore_mem>>)
      %dma_wait3A_106 = tpu.memref_slice %arg20[%mul3A_46] : memref<1024xi32, #tpu.memory_space<hbm>> -> memref<32xi32, #tpu.memory_space<hbm>>
      %dma_wait3A_107 = tpu.memref_slice %arg20[%mul3A_46] : memref<1024xi32, #tpu.memory_space<hbm>> -> memref<32xi32, #tpu.memory_space<hbm>>
      tpu.wait_dma2 semaphore(%run_scoped3A : memref<!tpu.dma_semaphore, #tpu.memory_space<semaphore_mem>>) src(%dma_wait3A_107 : memref<32xi32, #tpu.memory_space<hbm>>) dst(%arg38 : memref<32xi32, #tpu.memory_space<vmem>>)
      tpu.yield
    }) : () -> ()
    %dma_start3A_53 = arith.constant 0 : i32
    %dma_start3A_54 = arith.constant 0 : i32
    %dma_start3A_55 = tpu.memref_slice %arg14[%dma_start3A_53, %dma_start3A_54] : memref<21x64xf32, #tpu.memory_space<hbm>> -> memref<21x64xf32, #tpu.memory_space<hbm>>
    tpu.enqueue_indirect_dma source(%dma_start3A_55 : memref<21x64xf32, #tpu.memory_space<hbm>>) target(%arg44 : memref<32x64xf32, #tpu.memory_space<vmem>>) offsets(%arg38 : memref<32xi32, #tpu.memory_space<vmem>>) semaphore(%arg49 : memref<!tpu.dma_semaphore, #tpu.memory_space<semaphore_mem>>)
    "tpu.region"() ({
      %run_scoped3A = tpu.sem_alloc : memref<!tpu.dma_semaphore, #tpu.memory_space<semaphore_mem>>
      %dma_start3A_104 = tpu.memref_slice %arg21[%mul3A_46] : memref<1024xi32, #tpu.memory_space<hbm>> -> memref<32xi32, #tpu.memory_space<hbm>>
      %dma_start3A_105 = tpu.memref_slice %arg21[%mul3A_46] : memref<1024xi32, #tpu.memory_space<hbm>> -> memref<32xi32, #tpu.memory_space<hbm>>
      tpu.enqueue_dma source(%dma_start3A_105 : memref<32xi32, #tpu.memory_space<hbm>>) target(%arg39 : memref<32xi32, #tpu.memory_space<vmem>>) target_semaphore(%run_scoped3A : memref<!tpu.dma_semaphore, #tpu.memory_space<semaphore_mem>>)
      %dma_wait3A_106 = tpu.memref_slice %arg21[%mul3A_46] : memref<1024xi32, #tpu.memory_space<hbm>> -> memref<32xi32, #tpu.memory_space<hbm>>
      %dma_wait3A_107 = tpu.memref_slice %arg21[%mul3A_46] : memref<1024xi32, #tpu.memory_space<hbm>> -> memref<32xi32, #tpu.memory_space<hbm>>
      tpu.wait_dma2 semaphore(%run_scoped3A : memref<!tpu.dma_semaphore, #tpu.memory_space<semaphore_mem>>) src(%dma_wait3A_107 : memref<32xi32, #tpu.memory_space<hbm>>) dst(%arg39 : memref<32xi32, #tpu.memory_space<vmem>>)
      tpu.yield
    }) : () -> ()
    %dma_start3A_56 = arith.constant 0 : i32
    %dma_start3A_57 = arith.constant 0 : i32
    %dma_start3A_58 = tpu.memref_slice %arg15[%dma_start3A_56, %dma_start3A_57] : memref<251x64xf32, #tpu.memory_space<hbm>> -> memref<251x64xf32, #tpu.memory_space<hbm>>
    tpu.enqueue_indirect_dma source(%dma_start3A_58 : memref<251x64xf32, #tpu.memory_space<hbm>>) target(%arg45 : memref<32x64xf32, #tpu.memory_space<vmem>>) offsets(%arg39 : memref<32xi32, #tpu.memory_space<vmem>>) semaphore(%arg49 : memref<!tpu.dma_semaphore, #tpu.memory_space<semaphore_mem>>)
    "tpu.region"() ({
      %run_scoped3A = tpu.sem_alloc : memref<!tpu.dma_semaphore, #tpu.memory_space<semaphore_mem>>
      %dma_start3A_104 = tpu.memref_slice %arg22[%mul3A_46] : memref<1024xi32, #tpu.memory_space<hbm>> -> memref<32xi32, #tpu.memory_space<hbm>>
      %dma_start3A_105 = tpu.memref_slice %arg22[%mul3A_46] : memref<1024xi32, #tpu.memory_space<hbm>> -> memref<32xi32, #tpu.memory_space<hbm>>
      tpu.enqueue_dma source(%dma_start3A_105 : memref<32xi32, #tpu.memory_space<hbm>>) target(%arg40 : memref<32xi32, #tpu.memory_space<vmem>>) target_semaphore(%run_scoped3A : memref<!tpu.dma_semaphore, #tpu.memory_space<semaphore_mem>>)
      %dma_wait3A_106 = tpu.memref_slice %arg22[%mul3A_46] : memref<1024xi32, #tpu.memory_space<hbm>> -> memref<32xi32, #tpu.memory_space<hbm>>
      %dma_wait3A_107 = tpu.memref_slice %arg22[%mul3A_46] : memref<1024xi32, #tpu.memory_space<hbm>> -> memref<32xi32, #tpu.memory_space<hbm>>
      tpu.wait_dma2 semaphore(%run_scoped3A : memref<!tpu.dma_semaphore, #tpu.memory_space<semaphore_mem>>) src(%dma_wait3A_107 : memref<32xi32, #tpu.memory_space<hbm>>) dst(%arg40 : memref<32xi32, #tpu.memory_space<vmem>>)
      tpu.yield
    }) : () -> ()
    %dma_start3A_59 = arith.constant 0 : i32
    %dma_start3A_60 = arith.constant 0 : i32
    %dma_start3A_61 = tpu.memref_slice %arg16[%dma_start3A_59, %dma_start3A_60] : memref<2001x64xf32, #tpu.memory_space<hbm>> -> memref<2001x64xf32, #tpu.memory_space<hbm>>
    tpu.enqueue_indirect_dma source(%dma_start3A_61 : memref<2001x64xf32, #tpu.memory_space<hbm>>) target(%arg46 : memref<32x64xf32, #tpu.memory_space<vmem>>) offsets(%arg40 : memref<32xi32, #tpu.memory_space<vmem>>) semaphore(%arg49 : memref<!tpu.dma_semaphore, #tpu.memory_space<semaphore_mem>>)
    "tpu.region"() ({
      %run_scoped3A = tpu.sem_alloc : memref<!tpu.dma_semaphore, #tpu.memory_space<semaphore_mem>>
      %dma_start3A_104 = tpu.memref_slice %arg23[%mul3A_46] : memref<1024xi32, #tpu.memory_space<hbm>> -> memref<32xi32, #tpu.memory_space<hbm>>
      %dma_start3A_105 = tpu.memref_slice %arg23[%mul3A_46] : memref<1024xi32, #tpu.memory_space<hbm>> -> memref<32xi32, #tpu.memory_space<hbm>>
      tpu.enqueue_dma source(%dma_start3A_105 : memref<32xi32, #tpu.memory_space<hbm>>) target(%arg41 : memref<32xi32, #tpu.memory_space<vmem>>) target_semaphore(%run_scoped3A : memref<!tpu.dma_semaphore, #tpu.memory_space<semaphore_mem>>)
      %dma_wait3A_106 = tpu.memref_slice %arg23[%mul3A_46] : memref<1024xi32, #tpu.memory_space<hbm>> -> memref<32xi32, #tpu.memory_space<hbm>>
      %dma_wait3A_107 = tpu.memref_slice %arg23[%mul3A_46] : memref<1024xi32, #tpu.memory_space<hbm>> -> memref<32xi32, #tpu.memory_space<hbm>>
      tpu.wait_dma2 semaphore(%run_scoped3A : memref<!tpu.dma_semaphore, #tpu.memory_space<semaphore_mem>>) src(%dma_wait3A_107 : memref<32xi32, #tpu.memory_space<hbm>>) dst(%arg41 : memref<32xi32, #tpu.memory_space<vmem>>)
      tpu.yield
    }) : () -> ()
    %dma_start3A_62 = arith.constant 0 : i32
    %dma_start3A_63 = arith.constant 0 : i32
    %dma_start3A_64 = tpu.memref_slice %arg17[%dma_start3A_62, %dma_start3A_63] : memref<11x64xf32, #tpu.memory_space<hbm>> -> memref<11x64xf32, #tpu.memory_space<hbm>>
    tpu.enqueue_indirect_dma source(%dma_start3A_64 : memref<11x64xf32, #tpu.memory_space<hbm>>) target(%arg47 : memref<32x64xf32, #tpu.memory_space<vmem>>) offsets(%arg41 : memref<32xi32, #tpu.memory_space<vmem>>) semaphore(%arg49 : memref<!tpu.dma_semaphore, #tpu.memory_space<semaphore_mem>>)
    %dma_wait3A_65 = arith.constant 0 : i32
    %dma_wait3A_66 = arith.constant 0 : i32
    %dma_wait3A_67 = tpu.memref_slice %arg12[%dma_wait3A_65, %dma_wait3A_66] : memref<6x64xf32, #tpu.memory_space<hbm>> -> memref<6x64xf32, #tpu.memory_space<hbm>>
    tpu.wait_indirect_dma semaphore(%arg49 : memref<!tpu.dma_semaphore, #tpu.memory_space<semaphore_mem>>) src(%dma_wait3A_67 : memref<6x64xf32, #tpu.memory_space<hbm>>) dst(%arg42 : memref<32x64xf32, #tpu.memory_space<vmem>>)
    %dma_wait3A_68 = arith.constant 0 : i32
    %dma_wait3A_69 = arith.constant 0 : i32
    %dma_wait3A_70 = tpu.memref_slice %arg13[%dma_wait3A_68, %dma_wait3A_69] : memref<11x64xf32, #tpu.memory_space<hbm>> -> memref<11x64xf32, #tpu.memory_space<hbm>>
    tpu.wait_indirect_dma semaphore(%arg49 : memref<!tpu.dma_semaphore, #tpu.memory_space<semaphore_mem>>) src(%dma_wait3A_70 : memref<11x64xf32, #tpu.memory_space<hbm>>) dst(%arg43 : memref<32x64xf32, #tpu.memory_space<vmem>>)
    %dma_wait3A_71 = arith.constant 0 : i32
    %dma_wait3A_72 = arith.constant 0 : i32
    %dma_wait3A_73 = tpu.memref_slice %arg14[%dma_wait3A_71, %dma_wait3A_72] : memref<21x64xf32, #tpu.memory_space<hbm>> -> memref<21x64xf32, #tpu.memory_space<hbm>>
    tpu.wait_indirect_dma semaphore(%arg49 : memref<!tpu.dma_semaphore, #tpu.memory_space<semaphore_mem>>) src(%dma_wait3A_73 : memref<21x64xf32, #tpu.memory_space<hbm>>) dst(%arg44 : memref<32x64xf32, #tpu.memory_space<vmem>>)
    %dma_wait3A_74 = arith.constant 0 : i32
    %dma_wait3A_75 = arith.constant 0 : i32
    %dma_wait3A_76 = tpu.memref_slice %arg15[%dma_wait3A_74, %dma_wait3A_75] : memref<251x64xf32, #tpu.memory_space<hbm>> -> memref<251x64xf32, #tpu.memory_space<hbm>>
    tpu.wait_indirect_dma semaphore(%arg49 : memref<!tpu.dma_semaphore, #tpu.memory_space<semaphore_mem>>) src(%dma_wait3A_76 : memref<251x64xf32, #tpu.memory_space<hbm>>) dst(%arg45 : memref<32x64xf32, #tpu.memory_space<vmem>>)
    %dma_wait3A_77 = arith.constant 0 : i32
    %dma_wait3A_78 = arith.constant 0 : i32
    %dma_wait3A_79 = tpu.memref_slice %arg16[%dma_wait3A_77, %dma_wait3A_78] : memref<2001x64xf32, #tpu.memory_space<hbm>> -> memref<2001x64xf32, #tpu.memory_space<hbm>>
    tpu.wait_indirect_dma semaphore(%arg49 : memref<!tpu.dma_semaphore, #tpu.memory_space<semaphore_mem>>) src(%dma_wait3A_79 : memref<2001x64xf32, #tpu.memory_space<hbm>>) dst(%arg46 : memref<32x64xf32, #tpu.memory_space<vmem>>)
    %dma_wait3A_80 = arith.constant 0 : i32
    %dma_wait3A_81 = arith.constant 0 : i32
    %dma_wait3A_82 = tpu.memref_slice %arg17[%dma_wait3A_80, %dma_wait3A_81] : memref<11x64xf32, #tpu.memory_space<hbm>> -> memref<11x64xf32, #tpu.memory_space<hbm>>
    tpu.wait_indirect_dma semaphore(%arg49 : memref<!tpu.dma_semaphore, #tpu.memory_space<semaphore_mem>>) src(%dma_wait3A_82 : memref<11x64xf32, #tpu.memory_space<hbm>>) dst(%arg47 : memref<32x64xf32, #tpu.memory_space<vmem>>)
    %scan3A_83 = arith.constant 0 : i32
    %scan3A_84 = arith.constant 16 : i32
    %scan3A_85 = arith.addi %scan3A_83, %scan3A_84 : i32
    %scan3A_86 = arith.constant 1 : i32
    scf.for %scan3A_104 = %scan3A_83 to %scan3A_85 step %scan3A_86  : i32 {
      %mul3A_105 = arith.constant 1 : i32
      %mul3A_106 = arith.muli %scan3A_104, %mul3A_105 : i32
      %add3A_107 = arith.constant 0 : i32
      %add3A_108 = arith.addi %add3A_107, %mul3A_106 : i32
      %mul3A_109 = arith.constant 2 : i32
      %mul3A_110 = arith.muli %mul3A_109, %add3A_108 : i32
      %add3A_111 = arith.constant 0 : i32
      %add3A_112 = arith.addi %mul3A_110, %add3A_111 : i32
      %get3A = arith.index_cast %add3A_112 : i32 to index
      %get3A_113 = arith.constant 0 : index
      %get3A_114 = tpu.vector_load %arg42[%get3A, %get3A_113] {strides = array<i32>} : memref<32x64xf32, #tpu.memory_space<vmem>>, vector<1x16xf32>,
      %get3A_115 = vector.shape_cast %get3A_114 : vector<1x16xf32> to vector<16xf32>
      %mul3A_116 = arith.constant 2 : i32
      %mul3A_117 = arith.muli %mul3A_116, %add3A_108 : i32
      %add3A_118 = arith.constant 0 : i32
      %add3A_119 = arith.addi %mul3A_117, %add3A_118 : i32
      %get3A_120 = arith.index_cast %add3A_119 : i32 to index
      %get3A_121 = arith.constant 0 : index
      %get3A_122 = tpu.vector_load %arg43[%get3A_120, %get3A_121] {strides = array<i32>} : memref<32x64xf32, #tpu.memory_space<vmem>>, vector<1x16xf32>,
      %get3A_123 = vector.shape_cast %get3A_122 : vector<1x16xf32> to vector<16xf32>
      %add3A_124 = arith.addf %get3A_115, %get3A_123 : vector<16xf32>
      %mul3A_125 = arith.constant 2 : i32
      %mul3A_126 = arith.muli %mul3A_125, %add3A_108 : i32
      %add3A_127 = arith.constant 0 : i32
      %add3A_128 = arith.addi %mul3A_126, %add3A_127 : i32
      %get3A_129 = arith.index_cast %add3A_128 : i32 to index
      %get3A_130 = arith.constant 0 : index
      %get3A_131 = tpu.vector_load %arg44[%get3A_129, %get3A_130] {strides = array<i32>} : memref<32x64xf32, #tpu.memory_space<vmem>>, vector<1x16xf32>,
      %get3A_132 = vector.shape_cast %get3A_131 : vector<1x16xf32> to vector<16xf32>
      %add3A_133 = arith.addf %add3A_124, %get3A_132 : vector<16xf32>
      %mul3A_134 = arith.constant 2 : i32
      %mul3A_135 = arith.muli %mul3A_134, %add3A_108 : i32
      %add3A_136 = arith.constant 0 : i32
      %add3A_137 = arith.addi %mul3A_135, %add3A_136 : i32
      %get3A_138 = arith.index_cast %add3A_137 : i32 to index
      %get3A_139 = arith.constant 0 : index
      %get3A_140 = tpu.vector_load %arg45[%get3A_138, %get3A_139] {strides = array<i32>} : memref<32x64xf32, #tpu.memory_space<vmem>>, vector<1x16xf32>,
      %get3A_141 = vector.shape_cast %get3A_140 : vector<1x16xf32> to vector<16xf32>
      %add3A_142 = arith.addf %add3A_133, %get3A_141 : vector<16xf32>
      %mul3A_143 = arith.constant 2 : i32
      %mul3A_144 = arith.muli %mul3A_143, %add3A_108 : i32
      %add3A_145 = arith.constant 0 : i32
      %add3A_146 = arith.addi %mul3A_144, %add3A_145 : i32
      %get3A_147 = arith.index_cast %add3A_146 : i32 to index
      %get3A_148 = arith.constant 0 : index
      %get3A_149 = tpu.vector_load %arg46[%get3A_147, %get3A_148] {strides = array<i32>} : memref<32x64xf32, #tpu.memory_space<vmem>>, vector<1x16xf32>,
      %get3A_150 = vector.shape_cast %get3A_149 : vector<1x16xf32> to vector<16xf32>
      %add3A_151 = arith.addf %add3A_142, %get3A_150 : vector<16xf32>
      %mul3A_152 = arith.constant 2 : i32
      %mul3A_153 = arith.muli %mul3A_152, %add3A_108 : i32
      %add3A_154 = arith.constant 0 : i32
      %add3A_155 = arith.addi %mul3A_153, %add3A_154 : i32
      %get3A_156 = arith.index_cast %add3A_155 : i32 to index
      %get3A_157 = arith.constant 0 : index
      %get3A_158 = tpu.vector_load %arg47[%get3A_156, %get3A_157] {strides = array<i32>} : memref<32x64xf32, #tpu.memory_space<vmem>>, vector<1x16xf32>,
      %get3A_159 = vector.shape_cast %get3A_158 : vector<1x16xf32> to vector<16xf32>
      %add3A_160 = arith.addf %add3A_151, %get3A_159 : vector<16xf32>
      %swap3A = arith.index_cast %add3A_108 : i32 to index
      %swap3A_161 = arith.constant 0 : index
      %swap3A_162 = tpu.vector_load %arg48[%swap3A, %swap3A_161] {strides = array<i32>} : memref<16x128xf32, #tpu.memory_space<vmem>>, vector<1x16xf32>,
      %swap3A_163 = vector.shape_cast %swap3A_162 : vector<1x16xf32> to vector<16xf32>
      %swap3A_164 = vector.shape_cast %add3A_160 : vector<16xf32> to vector<1x16xf32>
      tpu.vector_store %arg48[%swap3A, %swap3A_161], %swap3A_164 {strides = array<i32>} : memref<16x128xf32, #tpu.memory_space<vmem>>, vector<1x16xf32>,
      %mul3A_165 = arith.constant 2 : i32
      %mul3A_166 = arith.muli %mul3A_165, %add3A_108 : i32
      %add3A_167 = arith.constant 0 : i32
      %add3A_168 = arith.addi %mul3A_166, %add3A_167 : i32
      %get3A_169 = arith.index_cast %add3A_168 : i32 to index
      %get3A_170 = arith.constant 16 : index
      %get3A_171 = tpu.vector_load %arg42[%get3A_169, %get3A_170] {strides = array<i32>} : memref<32x64xf32, #tpu.memory_space<vmem>>, vector<1x16xf32>,
      %get3A_172 = vector.shape_cast %get3A_171 : vector<1x16xf32> to vector<16xf32>
      %mul3A_173 = arith.constant 2 : i32
      %mul3A_174 = arith.muli %mul3A_173, %add3A_108 : i32
      %add3A_175 = arith.constant 0 : i32
      %add3A_176 = arith.addi %mul3A_174, %add3A_175 : i32
      %get3A_177 = arith.index_cast %add3A_176 : i32 to index
      %get3A_178 = arith.constant 16 : index
      %get3A_179 = tpu.vector_load %arg43[%get3A_177, %get3A_178] {strides = array<i32>} : memref<32x64xf32, #tpu.memory_space<vmem>>, vector<1x16xf32>,
      %get3A_180 = vector.shape_cast %get3A_179 : vector<1x16xf32> to vector<16xf32>
      %add3A_181 = arith.addf %get3A_172, %get3A_180 : vector<16xf32>
      %mul3A_182 = arith.constant 2 : i32
      %mul3A_183 = arith.muli %mul3A_182, %add3A_108 : i32
      %add3A_184 = arith.constant 0 : i32
      %add3A_185 = arith.addi %mul3A_183, %add3A_184 : i32
      %get3A_186 = arith.index_cast %add3A_185 : i32 to index
      %get3A_187 = arith.constant 16 : index
      %get3A_188 = tpu.vector_load %arg44[%get3A_186, %get3A_187] {strides = array<i32>} : memref<32x64xf32, #tpu.memory_space<vmem>>, vector<1x16xf32>,
      %get3A_189 = vector.shape_cast %get3A_188 : vector<1x16xf32> to vector<16xf32>
      %add3A_190 = arith.addf %add3A_181, %get3A_189 : vector<16xf32>
      %mul3A_191 = arith.constant 2 : i32
      %mul3A_192 = arith.muli %mul3A_191, %add3A_108 : i32
      %add3A_193 = arith.constant 0 : i32
      %add3A_194 = arith.addi %mul3A_192, %add3A_193 : i32
      %get3A_195 = arith.index_cast %add3A_194 : i32 to index
      %get3A_196 = arith.constant 16 : index
      %get3A_197 = tpu.vector_load %arg45[%get3A_195, %get3A_196] {strides = array<i32>} : memref<32x64xf32, #tpu.memory_space<vmem>>, vector<1x16xf32>,
      %get3A_198 = vector.shape_cast %get3A_197 : vector<1x16xf32> to vector<16xf32>
      %add3A_199 = arith.addf %add3A_190, %get3A_198 : vector<16xf32>
      %mul3A_200 = arith.constant 2 : i32
      %mul3A_201 = arith.muli %mul3A_200, %add3A_108 : i32
      %add3A_202 = arith.constant 0 : i32
      %add3A_203 = arith.addi %mul3A_201, %add3A_202 : i32
      %get3A_204 = arith.index_cast %add3A_203 : i32 to index
      %get3A_205 = arith.constant 16 : index
      %get3A_206 = tpu.vector_load %arg46[%get3A_204, %get3A_205] {strides = array<i32>} : memref<32x64xf32, #tpu.memory_space<vmem>>, vector<1x16xf32>,
      %get3A_207 = vector.shape_cast %get3A_206 : vector<1x16xf32> to vector<16xf32>
      %add3A_208 = arith.addf %add3A_199, %get3A_207 : vector<16xf32>
      %mul3A_209 = arith.constant 2 : i32
      %mul3A_210 = arith.muli %mul3A_209, %add3A_108 : i32
      %add3A_211 = arith.constant 0 : i32
      %add3A_212 = arith.addi %mul3A_210, %add3A_211 : i32
      %get3A_213 = arith.index_cast %add3A_212 : i32 to index
      %get3A_214 = arith.constant 16 : index
      %get3A_215 = tpu.vector_load %arg47[%get3A_213, %get3A_214] {strides = array<i32>} : memref<32x64xf32, #tpu.memory_space<vmem>>, vector<1x16xf32>,
      %get3A_216 = vector.shape_cast %get3A_215 : vector<1x16xf32> to vector<16xf32>
      %add3A_217 = arith.addf %add3A_208, %get3A_216 : vector<16xf32>
      %swap3A_218 = arith.index_cast %add3A_108 : i32 to index
      %swap3A_219 = arith.constant 16 : index
      %swap3A_220 = tpu.vector_load %arg48[%swap3A_218, %swap3A_219] {strides = array<i32>} : memref<16x128xf32, #tpu.memory_space<vmem>>, vector<1x16xf32>,
      %swap3A_221 = vector.shape_cast %swap3A_220 : vector<1x16xf32> to vector<16xf32>
      %swap3A_222 = vector.shape_cast %add3A_217 : vector<16xf32> to vector<1x16xf32>
      tpu.vector_store %arg48[%swap3A_218, %swap3A_219], %swap3A_222 {strides = array<i32>} : memref<16x128xf32, #tpu.memory_space<vmem>>, vector<1x16xf32>,
      %mul3A_223 = arith.constant 2 : i32
      %mul3A_224 = arith.muli %mul3A_223, %add3A_108 : i32
      %add3A_225 = arith.constant 0 : i32
      %add3A_226 = arith.addi %mul3A_224, %add3A_225 : i32
      %get3A_227 = arith.index_cast %add3A_226 : i32 to index
      %get3A_228 = arith.constant 32 : index
      %get3A_229 = tpu.vector_load %arg42[%get3A_227, %get3A_228] {strides = array<i32>} : memref<32x64xf32, #tpu.memory_space<vmem>>, vector<1x16xf32>,
      %get3A_230 = vector.shape_cast %get3A_229 : vector<1x16xf32> to vector<16xf32>
      %mul3A_231 = arith.constant 2 : i32
      %mul3A_232 = arith.muli %mul3A_231, %add3A_108 : i32
      %add3A_233 = arith.constant 0 : i32
      %add3A_234 = arith.addi %mul3A_232, %add3A_233 : i32
      %get3A_235 = arith.index_cast %add3A_234 : i32 to index
      %get3A_236 = arith.constant 32 : index
      %get3A_237 = tpu.vector_load %arg43[%get3A_235, %get3A_236] {strides = array<i32>} : memref<32x64xf32, #tpu.memory_space<vmem>>, vector<1x16xf32>,
      %get3A_238 = vector.shape_cast %get3A_237 : vector<1x16xf32> to vector<16xf32>
      %add3A_239 = arith.addf %get3A_230, %get3A_238 : vector<16xf32>
      %mul3A_240 = arith.constant 2 : i32
      %mul3A_241 = arith.muli %mul3A_240, %add3A_108 : i32
      %add3A_242 = arith.constant 0 : i32
      %add3A_243 = arith.addi %mul3A_241, %add3A_242 : i32
      %get3A_244 = arith.index_cast %add3A_243 : i32 to index
      %get3A_245 = arith.constant 32 : index
      %get3A_246 = tpu.vector_load %arg44[%get3A_244, %get3A_245] {strides = array<i32>} : memref<32x64xf32, #tpu.memory_space<vmem>>, vector<1x16xf32>,
      %get3A_247 = vector.shape_cast %get3A_246 : vector<1x16xf32> to vector<16xf32>
      %add3A_248 = arith.addf %add3A_239, %get3A_247 : vector<16xf32>
      %mul3A_249 = arith.constant 2 : i32
      %mul3A_250 = arith.muli %mul3A_249, %add3A_108 : i32
      %add3A_251 = arith.constant 0 : i32
      %add3A_252 = arith.addi %mul3A_250, %add3A_251 : i32
      %get3A_253 = arith.index_cast %add3A_252 : i32 to index
      %get3A_254 = arith.constant 32 : index
      %get3A_255 = tpu.vector_load %arg45[%get3A_253, %get3A_254] {strides = array<i32>} : memref<32x64xf32, #tpu.memory_space<vmem>>, vector<1x16xf32>,
      %get3A_256 = vector.shape_cast %get3A_255 : vector<1x16xf32> to vector<16xf32>
      %add3A_257 = arith.addf %add3A_248, %get3A_256 : vector<16xf32>
      %mul3A_258 = arith.constant 2 : i32
      %mul3A_259 = arith.muli %mul3A_258, %add3A_108 : i32
      %add3A_260 = arith.constant 0 : i32
      %add3A_261 = arith.addi %mul3A_259, %add3A_260 : i32
      %get3A_262 = arith.index_cast %add3A_261 : i32 to index
      %get3A_263 = arith.constant 32 : index
      %get3A_264 = tpu.vector_load %arg46[%get3A_262, %get3A_263] {strides = array<i32>} : memref<32x64xf32, #tpu.memory_space<vmem>>, vector<1x16xf32>,
      %get3A_265 = vector.shape_cast %get3A_264 : vector<1x16xf32> to vector<16xf32>
      %add3A_266 = arith.addf %add3A_257, %get3A_265 : vector<16xf32>
      %mul3A_267 = arith.constant 2 : i32
      %mul3A_268 = arith.muli %mul3A_267, %add3A_108 : i32
      %add3A_269 = arith.constant 0 : i32
      %add3A_270 = arith.addi %mul3A_268, %add3A_269 : i32
      %get3A_271 = arith.index_cast %add3A_270 : i32 to index
      %get3A_272 = arith.constant 32 : index
      %get3A_273 = tpu.vector_load %arg47[%get3A_271, %get3A_272] {strides = array<i32>} : memref<32x64xf32, #tpu.memory_space<vmem>>, vector<1x16xf32>,
      %get3A_274 = vector.shape_cast %get3A_273 : vector<1x16xf32> to vector<16xf32>
      %add3A_275 = arith.addf %add3A_266, %get3A_274 : vector<16xf32>
      %swap3A_276 = arith.index_cast %add3A_108 : i32 to index
      %swap3A_277 = arith.constant 32 : index
      %swap3A_278 = tpu.vector_load %arg48[%swap3A_276, %swap3A_277] {strides = array<i32>} : memref<16x128xf32, #tpu.memory_space<vmem>>, vector<1x16xf32>,
      %swap3A_279 = vector.shape_cast %swap3A_278 : vector<1x16xf32> to vector<16xf32>
      %swap3A_280 = vector.shape_cast %add3A_275 : vector<16xf32> to vector<1x16xf32>
      tpu.vector_store %arg48[%swap3A_276, %swap3A_277], %swap3A_280 {strides = array<i32>} : memref<16x128xf32, #tpu.memory_space<vmem>>, vector<1x16xf32>,
      %mul3A_281 = arith.constant 2 : i32
      %mul3A_282 = arith.muli %mul3A_281, %add3A_108 : i32
      %add3A_283 = arith.constant 0 : i32
      %add3A_284 = arith.addi %mul3A_282, %add3A_283 : i32
      %get3A_285 = arith.index_cast %add3A_284 : i32 to index
      %get3A_286 = arith.constant 48 : index
      %get3A_287 = tpu.vector_load %arg42[%get3A_285, %get3A_286] {strides = array<i32>} : memref<32x64xf32, #tpu.memory_space<vmem>>, vector<1x16xf32>,
      %get3A_288 = vector.shape_cast %get3A_287 : vector<1x16xf32> to vector<16xf32>
      %mul3A_289 = arith.constant 2 : i32
      %mul3A_290 = arith.muli %mul3A_289, %add3A_108 : i32
      %add3A_291 = arith.constant 0 : i32
      %add3A_292 = arith.addi %mul3A_290, %add3A_291 : i32
      %get3A_293 = arith.index_cast %add3A_292 : i32 to index
      %get3A_294 = arith.constant 48 : index
      %get3A_295 = tpu.vector_load %arg43[%get3A_293, %get3A_294] {strides = array<i32>} : memref<32x64xf32, #tpu.memory_space<vmem>>, vector<1x16xf32>,
      %get3A_296 = vector.shape_cast %get3A_295 : vector<1x16xf32> to vector<16xf32>
      %add3A_297 = arith.addf %get3A_288, %get3A_296 : vector<16xf32>
      %mul3A_298 = arith.constant 2 : i32
      %mul3A_299 = arith.muli %mul3A_298, %add3A_108 : i32
      %add3A_300 = arith.constant 0 : i32
      %add3A_301 = arith.addi %mul3A_299, %add3A_300 : i32
      %get3A_302 = arith.index_cast %add3A_301 : i32 to index
      %get3A_303 = arith.constant 48 : index
      %get3A_304 = tpu.vector_load %arg44[%get3A_302, %get3A_303] {strides = array<i32>} : memref<32x64xf32, #tpu.memory_space<vmem>>, vector<1x16xf32>,
      %get3A_305 = vector.shape_cast %get3A_304 : vector<1x16xf32> to vector<16xf32>
      %add3A_306 = arith.addf %add3A_297, %get3A_305 : vector<16xf32>
      %mul3A_307 = arith.constant 2 : i32
      %mul3A_308 = arith.muli %mul3A_307, %add3A_108 : i32
      %add3A_309 = arith.constant 0 : i32
      %add3A_310 = arith.addi %mul3A_308, %add3A_309 : i32
      %get3A_311 = arith.index_cast %add3A_310 : i32 to index
      %get3A_312 = arith.constant 48 : index
      %get3A_313 = tpu.vector_load %arg45[%get3A_311, %get3A_312] {strides = array<i32>} : memref<32x64xf32, #tpu.memory_space<vmem>>, vector<1x16xf32>,
      %get3A_314 = vector.shape_cast %get3A_313 : vector<1x16xf32> to vector<16xf32>
      %add3A_315 = arith.addf %add3A_306, %get3A_314 : vector<16xf32>
      %mul3A_316 = arith.constant 2 : i32
      %mul3A_317 = arith.muli %mul3A_316, %add3A_108 : i32
      %add3A_318 = arith.constant 0 : i32
      %add3A_319 = arith.addi %mul3A_317, %add3A_318 : i32
      %get3A_320 = arith.index_cast %add3A_319 : i32 to index
      %get3A_321 = arith.constant 48 : index
      %get3A_322 = tpu.vector_load %arg46[%get3A_320, %get3A_321] {strides = array<i32>} : memref<32x64xf32, #tpu.memory_space<vmem>>, vector<1x16xf32>,
      %get3A_323 = vector.shape_cast %get3A_322 : vector<1x16xf32> to vector<16xf32>
      %add3A_324 = arith.addf %add3A_315, %get3A_323 : vector<16xf32>
      %mul3A_325 = arith.constant 2 : i32
      %mul3A_326 = arith.muli %mul3A_325, %add3A_108 : i32
      %add3A_327 = arith.constant 0 : i32
      %add3A_328 = arith.addi %mul3A_326, %add3A_327 : i32
      %get3A_329 = arith.index_cast %add3A_328 : i32 to index
      %get3A_330 = arith.constant 48 : index
      %get3A_331 = tpu.vector_load %arg47[%get3A_329, %get3A_330] {strides = array<i32>} : memref<32x64xf32, #tpu.memory_space<vmem>>, vector<1x16xf32>,
      %get3A_332 = vector.shape_cast %get3A_331 : vector<1x16xf32> to vector<16xf32>
      %add3A_333 = arith.addf %add3A_324, %get3A_332 : vector<16xf32>
      %swap3A_334 = arith.index_cast %add3A_108 : i32 to index
      %swap3A_335 = arith.constant 48 : index
      %swap3A_336 = tpu.vector_load %arg48[%swap3A_334, %swap3A_335] {strides = array<i32>} : memref<16x128xf32, #tpu.memory_space<vmem>>, vector<1x16xf32>,
      %swap3A_337 = vector.shape_cast %swap3A_336 : vector<1x16xf32> to vector<16xf32>
      %swap3A_338 = vector.shape_cast %add3A_333 : vector<16xf32> to vector<1x16xf32>
      tpu.vector_store %arg48[%swap3A_334, %swap3A_335], %swap3A_338 {strides = array<i32>} : memref<16x128xf32, #tpu.memory_space<vmem>>, vector<1x16xf32>,
      %mul3A_339 = arith.constant 2 : i32
      %mul3A_340 = arith.muli %mul3A_339, %add3A_108 : i32
      %add3A_341 = arith.constant 1 : i32
      %add3A_342 = arith.addi %mul3A_340, %add3A_341 : i32
      %get3A_343 = arith.index_cast %add3A_342 : i32 to index
      %get3A_344 = arith.constant 0 : index
      %get3A_345 = tpu.vector_load %arg42[%get3A_343, %get3A_344] {strides = array<i32>} : memref<32x64xf32, #tpu.memory_space<vmem>>, vector<1x16xf32>,
      %get3A_346 = vector.shape_cast %get3A_345 : vector<1x16xf32> to vector<16xf32>
      %mul3A_347 = arith.constant 2 : i32
      %mul3A_348 = arith.muli %mul3A_347, %add3A_108 : i32
      %add3A_349 = arith.constant 1 : i32
      %add3A_350 = arith.addi %mul3A_348, %add3A_349 : i32
      %get3A_351 = arith.index_cast %add3A_350 : i32 to index
      %get3A_352 = arith.constant 0 : index
      %get3A_353 = tpu.vector_load %arg43[%get3A_351, %get3A_352] {strides = array<i32>} : memref<32x64xf32, #tpu.memory_space<vmem>>, vector<1x16xf32>,
      %get3A_354 = vector.shape_cast %get3A_353 : vector<1x16xf32> to vector<16xf32>
      %add3A_355 = arith.addf %get3A_346, %get3A_354 : vector<16xf32>
      %mul3A_356 = arith.constant 2 : i32
      %mul3A_357 = arith.muli %mul3A_356, %add3A_108 : i32
      %add3A_358 = arith.constant 1 : i32
      %add3A_359 = arith.addi %mul3A_357, %add3A_358 : i32
      %get3A_360 = arith.index_cast %add3A_359 : i32 to index
      %get3A_361 = arith.constant 0 : index
      %get3A_362 = tpu.vector_load %arg44[%get3A_360, %get3A_361] {strides = array<i32>} : memref<32x64xf32, #tpu.memory_space<vmem>>, vector<1x16xf32>,
      %get3A_363 = vector.shape_cast %get3A_362 : vector<1x16xf32> to vector<16xf32>
      %add3A_364 = arith.addf %add3A_355, %get3A_363 : vector<16xf32>
      %mul3A_365 = arith.constant 2 : i32
      %mul3A_366 = arith.muli %mul3A_365, %add3A_108 : i32
      %add3A_367 = arith.constant 1 : i32
      %add3A_368 = arith.addi %mul3A_366, %add3A_367 : i32
      %get3A_369 = arith.index_cast %add3A_368 : i32 to index
      %get3A_370 = arith.constant 0 : index
      %get3A_371 = tpu.vector_load %arg45[%get3A_369, %get3A_370] {strides = array<i32>} : memref<32x64xf32, #tpu.memory_space<vmem>>, vector<1x16xf32>,
      %get3A_372 = vector.shape_cast %get3A_371 : vector<1x16xf32> to vector<16xf32>
      %add3A_373 = arith.addf %add3A_364, %get3A_372 : vector<16xf32>
      %mul3A_374 = arith.constant 2 : i32
      %mul3A_375 = arith.muli %mul3A_374, %add3A_108 : i32
      %add3A_376 = arith.constant 1 : i32
      %add3A_377 = arith.addi %mul3A_375, %add3A_376 : i32
      %get3A_378 = arith.index_cast %add3A_377 : i32 to index
      %get3A_379 = arith.constant 0 : index
      %get3A_380 = tpu.vector_load %arg46[%get3A_378, %get3A_379] {strides = array<i32>} : memref<32x64xf32, #tpu.memory_space<vmem>>, vector<1x16xf32>,
      %get3A_381 = vector.shape_cast %get3A_380 : vector<1x16xf32> to vector<16xf32>
      %add3A_382 = arith.addf %add3A_373, %get3A_381 : vector<16xf32>
      %mul3A_383 = arith.constant 2 : i32
      %mul3A_384 = arith.muli %mul3A_383, %add3A_108 : i32
      %add3A_385 = arith.constant 1 : i32
      %add3A_386 = arith.addi %mul3A_384, %add3A_385 : i32
      %get3A_387 = arith.index_cast %add3A_386 : i32 to index
      %get3A_388 = arith.constant 0 : index
      %get3A_389 = tpu.vector_load %arg47[%get3A_387, %get3A_388] {strides = array<i32>} : memref<32x64xf32, #tpu.memory_space<vmem>>, vector<1x16xf32>,
      %get3A_390 = vector.shape_cast %get3A_389 : vector<1x16xf32> to vector<16xf32>
      %add3A_391 = arith.addf %add3A_382, %get3A_390 : vector<16xf32>
      %swap3A_392 = arith.index_cast %add3A_108 : i32 to index
      %swap3A_393 = arith.constant 64 : index
      %swap3A_394 = tpu.vector_load %arg48[%swap3A_392, %swap3A_393] {strides = array<i32>} : memref<16x128xf32, #tpu.memory_space<vmem>>, vector<1x16xf32>,
      %swap3A_395 = vector.shape_cast %swap3A_394 : vector<1x16xf32> to vector<16xf32>
      %swap3A_396 = vector.shape_cast %add3A_391 : vector<16xf32> to vector<1x16xf32>
      tpu.vector_store %arg48[%swap3A_392, %swap3A_393], %swap3A_396 {strides = array<i32>} : memref<16x128xf32, #tpu.memory_space<vmem>>, vector<1x16xf32>,
      %mul3A_397 = arith.constant 2 : i32
      %mul3A_398 = arith.muli %mul3A_397, %add3A_108 : i32
      %add3A_399 = arith.constant 1 : i32
      %add3A_400 = arith.addi %mul3A_398, %add3A_399 : i32
      %get3A_401 = arith.index_cast %add3A_400 : i32 to index
      %get3A_402 = arith.constant 16 : index
      %get3A_403 = tpu.vector_load %arg42[%get3A_401, %get3A_402] {strides = array<i32>} : memref<32x64xf32, #tpu.memory_space<vmem>>, vector<1x16xf32>,
      %get3A_404 = vector.shape_cast %get3A_403 : vector<1x16xf32> to vector<16xf32>
      %mul3A_405 = arith.constant 2 : i32
      %mul3A_406 = arith.muli %mul3A_405, %add3A_108 : i32
      %add3A_407 = arith.constant 1 : i32
      %add3A_408 = arith.addi %mul3A_406, %add3A_407 : i32
      %get3A_409 = arith.index_cast %add3A_408 : i32 to index
      %get3A_410 = arith.constant 16 : index
      %get3A_411 = tpu.vector_load %arg43[%get3A_409, %get3A_410] {strides = array<i32>} : memref<32x64xf32, #tpu.memory_space<vmem>>, vector<1x16xf32>,
      %get3A_412 = vector.shape_cast %get3A_411 : vector<1x16xf32> to vector<16xf32>
      %add3A_413 = arith.addf %get3A_404, %get3A_412 : vector<16xf32>
      %mul3A_414 = arith.constant 2 : i32
      %mul3A_415 = arith.muli %mul3A_414, %add3A_108 : i32
      %add3A_416 = arith.constant 1 : i32
      %add3A_417 = arith.addi %mul3A_415, %add3A_416 : i32
      %get3A_418 = arith.index_cast %add3A_417 : i32 to index
      %get3A_419 = arith.constant 16 : index
      %get3A_420 = tpu.vector_load %arg44[%get3A_418, %get3A_419] {strides = array<i32>} : memref<32x64xf32, #tpu.memory_space<vmem>>, vector<1x16xf32>,
      %get3A_421 = vector.shape_cast %get3A_420 : vector<1x16xf32> to vector<16xf32>
      %add3A_422 = arith.addf %add3A_413, %get3A_421 : vector<16xf32>
      %mul3A_423 = arith.constant 2 : i32
      %mul3A_424 = arith.muli %mul3A_423, %add3A_108 : i32
      %add3A_425 = arith.constant 1 : i32
      %add3A_426 = arith.addi %mul3A_424, %add3A_425 : i32
      %get3A_427 = arith.index_cast %add3A_426 : i32 to index
      %get3A_428 = arith.constant 16 : index
      %get3A_429 = tpu.vector_load %arg45[%get3A_427, %get3A_428] {strides = array<i32>} : memref<32x64xf32, #tpu.memory_space<vmem>>, vector<1x16xf32>,
      %get3A_430 = vector.shape_cast %get3A_429 : vector<1x16xf32> to vector<16xf32>
      %add3A_431 = arith.addf %add3A_422, %get3A_430 : vector<16xf32>
      %mul3A_432 = arith.constant 2 : i32
      %mul3A_433 = arith.muli %mul3A_432, %add3A_108 : i32
      %add3A_434 = arith.constant 1 : i32
      %add3A_435 = arith.addi %mul3A_433, %add3A_434 : i32
      %get3A_436 = arith.index_cast %add3A_435 : i32 to index
      %get3A_437 = arith.constant 16 : index
      %get3A_438 = tpu.vector_load %arg46[%get3A_436, %get3A_437] {strides = array<i32>} : memref<32x64xf32, #tpu.memory_space<vmem>>, vector<1x16xf32>,
      %get3A_439 = vector.shape_cast %get3A_438 : vector<1x16xf32> to vector<16xf32>
      %add3A_440 = arith.addf %add3A_431, %get3A_439 : vector<16xf32>
      %mul3A_441 = arith.constant 2 : i32
      %mul3A_442 = arith.muli %mul3A_441, %add3A_108 : i32
      %add3A_443 = arith.constant 1 : i32
      %add3A_444 = arith.addi %mul3A_442, %add3A_443 : i32
      %get3A_445 = arith.index_cast %add3A_444 : i32 to index
      %get3A_446 = arith.constant 16 : index
      %get3A_447 = tpu.vector_load %arg47[%get3A_445, %get3A_446] {strides = array<i32>} : memref<32x64xf32, #tpu.memory_space<vmem>>, vector<1x16xf32>,
      %get3A_448 = vector.shape_cast %get3A_447 : vector<1x16xf32> to vector<16xf32>
      %add3A_449 = arith.addf %add3A_440, %get3A_448 : vector<16xf32>
      %swap3A_450 = arith.index_cast %add3A_108 : i32 to index
      %swap3A_451 = arith.constant 80 : index
      %swap3A_452 = tpu.vector_load %arg48[%swap3A_450, %swap3A_451] {strides = array<i32>} : memref<16x128xf32, #tpu.memory_space<vmem>>, vector<1x16xf32>,
      %swap3A_453 = vector.shape_cast %swap3A_452 : vector<1x16xf32> to vector<16xf32>
      %swap3A_454 = vector.shape_cast %add3A_449 : vector<16xf32> to vector<1x16xf32>
      tpu.vector_store %arg48[%swap3A_450, %swap3A_451], %swap3A_454 {strides = array<i32>} : memref<16x128xf32, #tpu.memory_space<vmem>>, vector<1x16xf32>,
      %mul3A_455 = arith.constant 2 : i32
      %mul3A_456 = arith.muli %mul3A_455, %add3A_108 : i32
      %add3A_457 = arith.constant 1 : i32
      %add3A_458 = arith.addi %mul3A_456, %add3A_457 : i32
      %get3A_459 = arith.index_cast %add3A_458 : i32 to index
      %get3A_460 = arith.constant 32 : index
      %get3A_461 = tpu.vector_load %arg42[%get3A_459, %get3A_460] {strides = array<i32>} : memref<32x64xf32, #tpu.memory_space<vmem>>, vector<1x16xf32>,
      %get3A_462 = vector.shape_cast %get3A_461 : vector<1x16xf32> to vector<16xf32>
      %mul3A_463 = arith.constant 2 : i32
      %mul3A_464 = arith.muli %mul3A_463, %add3A_108 : i32
      %add3A_465 = arith.constant 1 : i32
      %add3A_466 = arith.addi %mul3A_464, %add3A_465 : i32
      %get3A_467 = arith.index_cast %add3A_466 : i32 to index
      %get3A_468 = arith.constant 32 : index
      %get3A_469 = tpu.vector_load %arg43[%get3A_467, %get3A_468] {strides = array<i32>} : memref<32x64xf32, #tpu.memory_space<vmem>>, vector<1x16xf32>,
      %get3A_470 = vector.shape_cast %get3A_469 : vector<1x16xf32> to vector<16xf32>
      %add3A_471 = arith.addf %get3A_462, %get3A_470 : vector<16xf32>
      %mul3A_472 = arith.constant 2 : i32
      %mul3A_473 = arith.muli %mul3A_472, %add3A_108 : i32
      %add3A_474 = arith.constant 1 : i32
      %add3A_475 = arith.addi %mul3A_473, %add3A_474 : i32
      %get3A_476 = arith.index_cast %add3A_475 : i32 to index
      %get3A_477 = arith.constant 32 : index
      %get3A_478 = tpu.vector_load %arg44[%get3A_476, %get3A_477] {strides = array<i32>} : memref<32x64xf32, #tpu.memory_space<vmem>>, vector<1x16xf32>,
      %get3A_479 = vector.shape_cast %get3A_478 : vector<1x16xf32> to vector<16xf32>
      %add3A_480 = arith.addf %add3A_471, %get3A_479 : vector<16xf32>
      %mul3A_481 = arith.constant 2 : i32
      %mul3A_482 = arith.muli %mul3A_481, %add3A_108 : i32
      %add3A_483 = arith.constant 1 : i32
      %add3A_484 = arith.addi %mul3A_482, %add3A_483 : i32
      %get3A_485 = arith.index_cast %add3A_484 : i32 to index
      %get3A_486 = arith.constant 32 : index
      %get3A_487 = tpu.vector_load %arg45[%get3A_485, %get3A_486] {strides = array<i32>} : memref<32x64xf32, #tpu.memory_space<vmem>>, vector<1x16xf32>,
      %get3A_488 = vector.shape_cast %get3A_487 : vector<1x16xf32> to vector<16xf32>
      %add3A_489 = arith.addf %add3A_480, %get3A_488 : vector<16xf32>
      %mul3A_490 = arith.constant 2 : i32
      %mul3A_491 = arith.muli %mul3A_490, %add3A_108 : i32
      %add3A_492 = arith.constant 1 : i32
      %add3A_493 = arith.addi %mul3A_491, %add3A_492 : i32
      %get3A_494 = arith.index_cast %add3A_493 : i32 to index
      %get3A_495 = arith.constant 32 : index
      %get3A_496 = tpu.vector_load %arg46[%get3A_494, %get3A_495] {strides = array<i32>} : memref<32x64xf32, #tpu.memory_space<vmem>>, vector<1x16xf32>,
      %get3A_497 = vector.shape_cast %get3A_496 : vector<1x16xf32> to vector<16xf32>
      %add3A_498 = arith.addf %add3A_489, %get3A_497 : vector<16xf32>
      %mul3A_499 = arith.constant 2 : i32
      %mul3A_500 = arith.muli %mul3A_499, %add3A_108 : i32
      %add3A_501 = arith.constant 1 : i32
      %add3A_502 = arith.addi %mul3A_500, %add3A_501 : i32
      %get3A_503 = arith.index_cast %add3A_502 : i32 to index
      %get3A_504 = arith.constant 32 : index
      %get3A_505 = tpu.vector_load %arg47[%get3A_503, %get3A_504] {strides = array<i32>} : memref<32x64xf32, #tpu.memory_space<vmem>>, vector<1x16xf32>,
      %get3A_506 = vector.shape_cast %get3A_505 : vector<1x16xf32> to vector<16xf32>
      %add3A_507 = arith.addf %add3A_498, %get3A_506 : vector<16xf32>
      %swap3A_508 = arith.index_cast %add3A_108 : i32 to index
      %swap3A_509 = arith.constant 96 : index
      %swap3A_510 = tpu.vector_load %arg48[%swap3A_508, %swap3A_509] {strides = array<i32>} : memref<16x128xf32, #tpu.memory_space<vmem>>, vector<1x16xf32>,
      %swap3A_511 = vector.shape_cast %swap3A_510 : vector<1x16xf32> to vector<16xf32>
      %swap3A_512 = vector.shape_cast %add3A_507 : vector<16xf32> to vector<1x16xf32>
      tpu.vector_store %arg48[%swap3A_508, %swap3A_509], %swap3A_512 {strides = array<i32>} : memref<16x128xf32, #tpu.memory_space<vmem>>, vector<1x16xf32>,
      %mul3A_513 = arith.constant 2 : i32
      %mul3A_514 = arith.muli %mul3A_513, %add3A_108 : i32
      %add3A_515 = arith.constant 1 : i32
      %add3A_516 = arith.addi %mul3A_514, %add3A_515 : i32
      %get3A_517 = arith.index_cast %add3A_516 : i32 to index
      %get3A_518 = arith.constant 48 : index
      %get3A_519 = tpu.vector_load %arg42[%get3A_517, %get3A_518] {strides = array<i32>} : memref<32x64xf32, #tpu.memory_space<vmem>>, vector<1x16xf32>,
      %get3A_520 = vector.shape_cast %get3A_519 : vector<1x16xf32> to vector<16xf32>
      %mul3A_521 = arith.constant 2 : i32
      %mul3A_522 = arith.muli %mul3A_521, %add3A_108 : i32
      %add3A_523 = arith.constant 1 : i32
      %add3A_524 = arith.addi %mul3A_522, %add3A_523 : i32
      %get3A_525 = arith.index_cast %add3A_524 : i32 to index
      %get3A_526 = arith.constant 48 : index
      %get3A_527 = tpu.vector_load %arg43[%get3A_525, %get3A_526] {strides = array<i32>} : memref<32x64xf32, #tpu.memory_space<vmem>>, vector<1x16xf32>,
      %get3A_528 = vector.shape_cast %get3A_527 : vector<1x16xf32> to vector<16xf32>
      %add3A_529 = arith.addf %get3A_520, %get3A_528 : vector<16xf32>
      %mul3A_530 = arith.constant 2 : i32
      %mul3A_531 = arith.muli %mul3A_530, %add3A_108 : i32
      %add3A_532 = arith.constant 1 : i32
      %add3A_533 = arith.addi %mul3A_531, %add3A_532 : i32
      %get3A_534 = arith.index_cast %add3A_533 : i32 to index
      %get3A_535 = arith.constant 48 : index
      %get3A_536 = tpu.vector_load %arg44[%get3A_534, %get3A_535] {strides = array<i32>} : memref<32x64xf32, #tpu.memory_space<vmem>>, vector<1x16xf32>,
      %get3A_537 = vector.shape_cast %get3A_536 : vector<1x16xf32> to vector<16xf32>
      %add3A_538 = arith.addf %add3A_529, %get3A_537 : vector<16xf32>
      %mul3A_539 = arith.constant 2 : i32
      %mul3A_540 = arith.muli %mul3A_539, %add3A_108 : i32
      %add3A_541 = arith.constant 1 : i32
      %add3A_542 = arith.addi %mul3A_540, %add3A_541 : i32
      %get3A_543 = arith.index_cast %add3A_542 : i32 to index
      %get3A_544 = arith.constant 48 : index
      %get3A_545 = tpu.vector_load %arg45[%get3A_543, %get3A_544] {strides = array<i32>} : memref<32x64xf32, #tpu.memory_space<vmem>>, vector<1x16xf32>,
      %get3A_546 = vector.shape_cast %get3A_545 : vector<1x16xf32> to vector<16xf32>
      %add3A_547 = arith.addf %add3A_538, %get3A_546 : vector<16xf32>
      %mul3A_548 = arith.constant 2 : i32
      %mul3A_549 = arith.muli %mul3A_548, %add3A_108 : i32
      %add3A_550 = arith.constant 1 : i32
      %add3A_551 = arith.addi %mul3A_549, %add3A_550 : i32
      %get3A_552 = arith.index_cast %add3A_551 : i32 to index
      %get3A_553 = arith.constant 48 : index
      %get3A_554 = tpu.vector_load %arg46[%get3A_552, %get3A_553] {strides = array<i32>} : memref<32x64xf32, #tpu.memory_space<vmem>>, vector<1x16xf32>,
      %get3A_555 = vector.shape_cast %get3A_554 : vector<1x16xf32> to vector<16xf32>
      %add3A_556 = arith.addf %add3A_547, %get3A_555 : vector<16xf32>
      %mul3A_557 = arith.constant 2 : i32
      %mul3A_558 = arith.muli %mul3A_557, %add3A_108 : i32
      %add3A_559 = arith.constant 1 : i32
      %add3A_560 = arith.addi %mul3A_558, %add3A_559 : i32
      %get3A_561 = arith.index_cast %add3A_560 : i32 to index
      %get3A_562 = arith.constant 48 : index
      %get3A_563 = tpu.vector_load %arg47[%get3A_561, %get3A_562] {strides = array<i32>} : memref<32x64xf32, #tpu.memory_space<vmem>>, vector<1x16xf32>,
      %get3A_564 = vector.shape_cast %get3A_563 : vector<1x16xf32> to vector<16xf32>
      %add3A_565 = arith.addf %add3A_556, %get3A_564 : vector<16xf32>
      %swap3A_566 = arith.index_cast %add3A_108 : i32 to index
      %swap3A_567 = arith.constant 112 : index
      %swap3A_568 = tpu.vector_load %arg48[%swap3A_566, %swap3A_567] {strides = array<i32>} : memref<16x128xf32, #tpu.memory_space<vmem>>, vector<1x16xf32>,
      %swap3A_569 = vector.shape_cast %swap3A_568 : vector<1x16xf32> to vector<16xf32>
      %swap3A_570 = vector.shape_cast %add3A_565 : vector<16xf32> to vector<1x16xf32>
      tpu.vector_store %arg48[%swap3A_566, %swap3A_567], %swap3A_570 {strides = array<i32>} : memref<16x128xf32, #tpu.memory_space<vmem>>, vector<1x16xf32>,
    }
    %scan3A_87 = arith.constant 16 : i32
    %jit3A = arith.constant 2 : i32
    %div3A = arith.divsi %mul3A_46, %jit3A : i32
    %sign3A = arith.constant 0 : i32
    %sign3A_88 = arith.cmpi sgt, %mul3A_46, %sign3A : i32
    %sign3A_89 = arith.extui %sign3A_88 : i1 to i32
    %sign3A_90 = arith.constant 0 : i32
    %sign3A_91 = arith.cmpi slt, %mul3A_46, %sign3A_90 : i32
    %sign3A_92 = arith.extui %sign3A_91 : i1 to i32
    %sign3A_93 = arith.subi %sign3A_89, %sign3A_92 : i32
    %sign3A_94 = arith.constant 0 : i32
    %sign3A_95 = arith.cmpi sgt, %jit3A, %sign3A_94 : i32
    %sign3A_96 = arith.extui %sign3A_95 : i1 to i32
    %sign3A_97 = arith.constant 0 : i32
    %sign3A_98 = arith.cmpi slt, %jit3A, %sign3A_97 : i32
    %sign3A_99 = arith.extui %sign3A_98 : i1 to i32
    %sign3A_100 = arith.subi %sign3A_96, %sign3A_99 : i32
    %ne3A = arith.cmpi ne, %sign3A_93, %sign3A_100 : i32
    %rem3A = arith.remsi %mul3A_46, %jit3A : i32
    %ne3A_101 = arith.constant 0 : i32
    %ne3A_102 = arith.cmpi ne, %rem3A, %ne3A_101 : i32
    %and3A = arith.andi %ne3A, %ne3A_102 : i1
    %sub3A = arith.constant 1 : i32
    %sub3A_103 = arith.subi %div3A, %sub3A : i32
    %select_n3A = arith.select %and3A, %sub3A_103, %div3A : i32
    "tpu.region"() ({
      %run_scoped3A = tpu.sem_alloc : memref<!tpu.dma_semaphore, #tpu.memory_space<semaphore_mem>>
      %dma_start3A_104 = arith.constant 0 : i32
      %dma_start3A_105 = tpu.memref_slice %arg25[%select_n3A, %dma_start3A_104] : memref<512x128xf32, #tpu.memory_space<hbm>> -> memref<16x128xf32, #tpu.memory_space<hbm>>
      %dma_start3A_106 = arith.constant 0 : i32
      %dma_start3A_107 = tpu.memref_slice %arg25[%select_n3A, %dma_start3A_106] : memref<512x128xf32, #tpu.memory_space<hbm>> -> memref<16x128xf32, #tpu.memory_space<hbm>>
      tpu.enqueue_dma source(%arg48 : memref<16x128xf32, #tpu.memory_space<vmem>>) target(%dma_start3A_107 : memref<16x128xf32, #tpu.memory_space<hbm>>) target_semaphore(%run_scoped3A : memref<!tpu.dma_semaphore, #tpu.memory_space<semaphore_mem>>)
      %dma_wait3A_108 = arith.constant 0 : i32
      %dma_wait3A_109 = tpu.memref_slice %arg25[%select_n3A, %dma_wait3A_108] : memref<512x128xf32, #tpu.memory_space<hbm>> -> memref<16x128xf32, #tpu.memory_space<hbm>>
      %dma_wait3A_110 = arith.constant 0 : i32
      %dma_wait3A_111 = tpu.memref_slice %arg25[%select_n3A, %dma_wait3A_110] : memref<512x128xf32, #tpu.memory_space<hbm>> -> memref<16x128xf32, #tpu.memory_space<hbm>>
      tpu.wait_dma2 semaphore(%run_scoped3A : memref<!tpu.dma_semaphore, #tpu.memory_space<semaphore_mem>>) src(%arg48 : memref<16x128xf32, #tpu.memory_space<vmem>>) dst(%dma_wait3A_111 : memref<16x128xf32, #tpu.memory_space<hbm>>)
      tpu.yield
    }) : () -> ()
    return
  }
}

module attributes {stable_mosaic.version = 14 : i64} {
  func.func @_combine_body(%arg0: memref<101x64xf32, #tpu.memory_space<vmem>>, %arg1: memref<25x64xf32, #tpu.memory_space<vmem>>, %arg2: memref<1001x64xf32, #tpu.memory_space<vmem>>, %arg3: memref<8x64xf32, #tpu.memory_space<vmem>>, %arg4: memref<2525x64xf32, #tpu.memory_space<vmem>>, %arg5: memref<8008x64xf32, #tpu.memory_space<vmem>>) attributes {dimension_semantics = [], scalar_prefetch = 0 : i64, scratch_operands = 0 : i64, tpu.core_type = #tpu.core_type<tc>} {
    %get3A = arith.constant 0 : index
    %get3A_0 = arith.constant 0 : index
    %get3A_1 = vector.load %arg0[%get3A, %get3A_0] : memref<101x64xf32, #tpu.memory_space<vmem>>, vector<101x64xf32>
    %get3A_2 = arith.constant 0 : index
    %get3A_3 = arith.constant 0 : index
    %get3A_4 = vector.load %arg1[%get3A_2, %get3A_3] : memref<25x64xf32, #tpu.memory_space<vmem>>, vector<25x64xf32>
    %broadcast_in_dim3A = vector.shape_cast %get3A_1 : vector<101x64xf32> to vector<101x1x64xf32>
    %broadcast_in_dim3A_5 = vector.shape_cast %get3A_4 : vector<25x64xf32> to vector<1x25x64xf32>
    %add3A = vector.broadcast %broadcast_in_dim3A : vector<101x1x64xf32> to vector<101x25x64xf32>
    %add3A_6 = vector.broadcast %broadcast_in_dim3A_5 : vector<1x25x64xf32> to vector<101x25x64xf32>
    %add3A_7 = arith.addf %add3A, %add3A_6 : vector<101x25x64xf32>
    %reshape3A = vector.shape_cast %add3A_7 : vector<101x25x64xf32> to vector<2525x64xf32>
    %swap3A = arith.constant 0 : index
    %swap3A_8 = arith.constant 0 : index
    %swap3A_9 = vector.load %arg4[%swap3A, %swap3A_8] : memref<2525x64xf32, #tpu.memory_space<vmem>>, vector<2525x64xf32>
    tpu.vector_store %arg4[%swap3A, %swap3A_8], %reshape3A {strides = array<i32>} : memref<2525x64xf32, #tpu.memory_space<vmem>>, vector<2525x64xf32>,
    %get3A_10 = arith.constant 0 : index
    %get3A_11 = arith.constant 0 : index
    %get3A_12 = vector.load %arg2[%get3A_10, %get3A_11] : memref<1001x64xf32, #tpu.memory_space<vmem>>, vector<1001x64xf32>
    %get3A_13 = arith.constant 0 : index
    %get3A_14 = arith.constant 0 : index
    %get3A_15 = vector.load %arg3[%get3A_13, %get3A_14] : memref<8x64xf32, #tpu.memory_space<vmem>>, vector<8x64xf32>
    %broadcast_in_dim3A_16 = vector.shape_cast %get3A_12 : vector<1001x64xf32> to vector<1001x1x64xf32>
    %broadcast_in_dim3A_17 = vector.shape_cast %get3A_15 : vector<8x64xf32> to vector<1x8x64xf32>
    %add3A_18 = vector.broadcast %broadcast_in_dim3A_16 : vector<1001x1x64xf32> to vector<1001x8x64xf32>
    %add3A_19 = vector.broadcast %broadcast_in_dim3A_17 : vector<1x8x64xf32> to vector<1001x8x64xf32>
    %add3A_20 = arith.addf %add3A_18, %add3A_19 : vector<1001x8x64xf32>
    %reshape3A_21 = vector.shape_cast %add3A_20 : vector<1001x8x64xf32> to vector<8008x64xf32>
    %swap3A_22 = arith.constant 0 : index
    %swap3A_23 = arith.constant 0 : index
    %swap3A_24 = vector.load %arg5[%swap3A_22, %swap3A_23] : memref<8008x64xf32, #tpu.memory_space<vmem>>, vector<8008x64xf32>
    tpu.vector_store %arg5[%swap3A_22, %swap3A_23], %reshape3A_21 {strides = array<i32>} : memref<8008x64xf32, #tpu.memory_space<vmem>>, vector<8008x64xf32>,
    return
  }
}

module attributes {stable_mosaic.version = 14 : i64} {
  func.func @_tc_body(%arg0: i32, %arg1: memref<16x200x128xf32, #tpu.memory_space<vmem>>, %arg2: memref<16x128xf32, #tpu.memory_space<vmem>>, %arg3: memref<32x200x250xf32, #tpu.memory_space<vmem>>, %arg4: memref<32x200xi32, #tpu.memory_space<vmem>>, %arg5: memref<32x1xi32, #tpu.memory_space<vmem>>, %arg6: memref<200x64xf32, #tpu.memory_space<vmem>>, %arg7: memref<250x64xf32, #tpu.memory_space<vmem>>, %arg8: memref<1x64xf32, #tpu.memory_space<vmem>>, %arg9: memref<32x200x64xf32, #tpu.memory_space<vmem>>, %arg10: memref<32x200xf32, #tpu.memory_space<vmem>>, %arg11: memref<32x200xi32, #tpu.memory_space<vmem>>, %arg12: memref<32x1xi32, #tpu.memory_space<vmem>>) attributes {dimension_semantics = [#tpu.dimension_semantics<arbitrary>], iteration_bounds = array<i64: 32>, scalar_prefetch = 0 : i64, scratch_operands = 0 : i64, tpu.core_type = #tpu.core_type<tc>, window_params = [{transform_indices = @transform_0, window_bounds = array<i64: 16, 200, 128>}, {transform_indices = @transform_1, window_bounds = array<i64: 16, 128>}, {transform_indices = @transform_2, window_bounds = array<i64: 32, 200, 250>}, {transform_indices = @transform_3, window_bounds = array<i64: 32, 200>}, {transform_indices = @transform_4, window_bounds = array<i64: 32, 1>}, {pipeline_mode = #tpu.pipeline_mode<synchronous>, transform_indices = @transform_5, window_bounds = array<i64: 200, 64>}, {pipeline_mode = #tpu.pipeline_mode<synchronous>, transform_indices = @transform_6, window_bounds = array<i64: 250, 64>}, {pipeline_mode = #tpu.pipeline_mode<synchronous>, transform_indices = @transform_7, window_bounds = array<i64: 1, 64>}, {transform_indices = @transform_8, window_bounds = array<i64: 32, 200, 64>}, {transform_indices = @transform_9, window_bounds = array<i64: 32, 200>}, {transform_indices = @transform_10, window_bounds = array<i64: 32, 200>}, {transform_indices = @transform_11, window_bounds = array<i64: 32, 1>}]} {
    %get3A = arith.constant 0 : index
    %get3A_0 = arith.constant 0 : index
    %get3A_1 = arith.constant 0 : index
    %get3A_2 = vector.load %arg1[%get3A, %get3A_0, %get3A_1] : memref<16x200x128xf32, #tpu.memory_space<vmem>>, vector<16x200x128xf32>
    %slice3A = vector.extract_strided_slice %get3A_2 {offsets = [0, 0, 0], sizes = [16, 200, 64], strides = [1, 1, 1]} : vector<16x200x128xf32> to vector<16x200x64xf32>
    %slice3A_3 = vector.extract_strided_slice %get3A_2 {offsets = [0, 0, 64], sizes = [16, 200, 64], strides = [1, 1, 1]} : vector<16x200x128xf32> to vector<16x200x64xf32>
    %stack3A = vector.shape_cast %slice3A : vector<16x200x64xf32> to vector<16x1x200x64xf32>
    %stack3A_4 = vector.shape_cast %slice3A_3 : vector<16x200x64xf32> to vector<16x1x200x64xf32>
    %stack3A_5 = tpu.concatenate %stack3A, %stack3A_4 in 1 : vector<16x1x200x64xf32>, vector<16x1x200x64xf32> -> vector<16x2x200x64xf32>
    %reshape3A = vector.shape_cast %stack3A_5 : vector<16x2x200x64xf32> to vector<32x200x64xf32>
    %slice3A_6 = vector.extract_strided_slice %reshape3A {offsets = [0, 0, 0], sizes = [32, 199, 64], strides = [1, 1, 1]} : vector<32x200x64xf32> to vector<32x199x64xf32>
    %get3A_7 = arith.constant 0 : index
    %get3A_8 = arith.constant 0 : index
    %get3A_9 = vector.load %arg2[%get3A_7, %get3A_8] : memref<16x128xf32, #tpu.memory_space<vmem>>, vector<16x128xf32>
    %slice3A_10 = vector.extract_strided_slice %get3A_9 {offsets = [0, 0], sizes = [16, 64], strides = [1, 1]} : vector<16x128xf32> to vector<16x64xf32>
    %slice3A_11 = vector.extract_strided_slice %get3A_9 {offsets = [0, 64], sizes = [16, 64], strides = [1, 1]} : vector<16x128xf32> to vector<16x64xf32>
    %stack3A_12 = vector.shape_cast %slice3A_10 : vector<16x64xf32> to vector<16x1x64xf32>
    %stack3A_13 = vector.shape_cast %slice3A_11 : vector<16x64xf32> to vector<16x1x64xf32>
    %stack3A_14 = tpu.concatenate %stack3A_12, %stack3A_13 in 1 : vector<16x1x64xf32>, vector<16x1x64xf32> -> vector<16x2x64xf32>
    %reshape3A_15 = vector.shape_cast %stack3A_14 : vector<16x2x64xf32> to vector<32x64xf32>
    %get3A_16 = arith.constant 0 : index
    %get3A_17 = arith.constant 0 : index
    %get3A_18 = arith.constant 0 : index
    %get3A_19 = vector.load %arg3[%get3A_16, %get3A_17, %get3A_18] : memref<32x200x250xf32, #tpu.memory_space<vmem>>, vector<32x200x250xf32>
    %reshape3A_20 = vector.shape_cast %get3A_19 : vector<32x200x250xf32> to vector<6400x250xf32>
    %get3A_21 = arith.constant 0 : index
    %get3A_22 = arith.constant 0 : index
    %get3A_23 = vector.load %arg7[%get3A_21, %get3A_22] : memref<250x64xf32, #tpu.memory_space<vmem>>, vector<250x64xf32>
    %dot_general3A = arith.constant dense<0.000000e+00> : vector<6400x64xf32>
    %dot_general3A_24 = tpu.matmul %reshape3A_20, %get3A_23, %dot_general3A {dimension_numbers = #tpu.dot_dimension_numbers<[1], [0], [0], [1], [0, 0, 1, 1], [], []>, transpose_lhs_hint = false} : vector<6400x250xf32>, vector<250x64xf32>, vector<6400x64xf32> -> vector<6400x64xf32>
    %reshape3A_25 = vector.shape_cast %dot_general3A_24 : vector<6400x64xf32> to vector<32x200x64xf32>
    %get3A_26 = arith.constant 0 : index
    %get3A_27 = arith.constant 0 : index
    %get3A_28 = vector.load %arg6[%get3A_26, %get3A_27] : memref<200x64xf32, #tpu.memory_space<vmem>>, vector<200x64xf32>
    %slice3A_29 = vector.extract_strided_slice %reshape3A_25 {offsets = [0, 0, 0], sizes = [32, 199, 64], strides = [1, 1, 1]} : vector<32x200x64xf32> to vector<32x199x64xf32>
    %add3A = arith.addf %slice3A_6, %slice3A_29 : vector<32x199x64xf32>
    %get3A_30 = arith.constant 0 : index
    %get3A_31 = arith.constant 0 : index
    %get3A_32 = vector.load %arg8[%get3A_30, %get3A_31] : memref<1x64xf32, #tpu.memory_space<vmem>>, vector<1x64xf32>
    %broadcast_in_dim3A = vector.shape_cast %get3A_32 : vector<1x64xf32> to vector<1x1x64xf32>
    %add3A_33 = vector.broadcast %broadcast_in_dim3A : vector<1x1x64xf32> to vector<32x199x64xf32>
    %add3A_34 = arith.addf %add3A, %add3A_33 : vector<32x199x64xf32>
    %mul3A = arith.constant 8.000000e+00 : f32
    %mul3A_35 = vector.broadcast %mul3A : f32 to vector<32x199x64xf32>
    %mul3A_36 = arith.mulf %add3A_34, %mul3A_35 : vector<32x199x64xf32>
    %slice3A_37 = vector.extract_strided_slice %get3A_28 {offsets = [1, 0], sizes = [199, 64], strides = [1, 1]} : vector<200x64xf32> to vector<199x64xf32>
    %broadcast_in_dim3A_38 = vector.shape_cast %slice3A_37 : vector<199x64xf32> to vector<1x199x64xf32>
    %add3A_39 = vector.broadcast %broadcast_in_dim3A_38 : vector<1x199x64xf32> to vector<32x199x64xf32>
    %add3A_40 = arith.addf %mul3A_36, %add3A_39 : vector<32x199x64xf32>
    %mul3A_41 = arith.constant 8.000000e+00 : f32
    %mul3A_42 = vector.broadcast %mul3A_41 : f32 to vector<32x64xf32>
    %mul3A_43 = arith.mulf %reshape3A_15, %mul3A_42 : vector<32x64xf32>
    %slice3A_44 = vector.extract_strided_slice %get3A_28 {offsets = [0, 0], sizes = [1, 64], strides = [1, 1]} : vector<200x64xf32> to vector<1x64xf32>
    %squeeze3A = vector.shape_cast %slice3A_44 : vector<1x64xf32> to vector<64xf32>
    %broadcast_in_dim3A_45 = vector.shape_cast %squeeze3A : vector<64xf32> to vector<1x64xf32>
    %add3A_46 = vector.broadcast %broadcast_in_dim3A_45 : vector<1x64xf32> to vector<32x64xf32>
    %add3A_47 = arith.addf %mul3A_43, %add3A_46 : vector<32x64xf32>
    %get3A_48 = arith.constant 0 : index
    %get3A_49 = arith.constant 0 : index
    %get3A_50 = vector.load %arg4[%get3A_48, %get3A_49] : memref<32x200xi32, #tpu.memory_space<vmem>>, vector<32x199xi32>
    %ne3A = arith.constant 0 : i32
    %ne3A_51 = vector.broadcast %ne3A : i32 to vector<32x199xi32>
    %ne3A_52 = arith.cmpi ne, %get3A_50, %ne3A_51 : vector<32x199xi32>
    %convert_element_type3A = arith.extui %ne3A_52 : vector<32x199xi1> to vector<32x199xi32>
    %convert_element_type3A_53 = arith.sitofp %convert_element_type3A : vector<32x199xi32> to vector<32x199xf32>
    %broadcast_in_dim3A_54 = vector.shape_cast %add3A_47 : vector<32x64xf32> to vector<32x1x64xf32>
    %broadcast_in_dim3A_55 = vector.shape_cast %convert_element_type3A_53 : vector<32x199xf32> to vector<32x199x1xf32>
    %mul3A_56 = vector.broadcast %broadcast_in_dim3A_55 : vector<32x199x1xf32> to vector<32x199x64xf32>
    %mul3A_57 = arith.mulf %add3A_40, %mul3A_56 : vector<32x199x64xf32>
    %concatenate3A = tpu.concatenate %broadcast_in_dim3A_54, %mul3A_57 in 1 : vector<32x1x64xf32>, vector<32x199x64xf32> -> vector<32x200x64xf32>
    %swap3A = arith.constant 0 : index
    %swap3A_58 = arith.constant 0 : index
    %swap3A_59 = arith.constant 0 : index
    %swap3A_60 = vector.load %arg9[%swap3A, %swap3A_58, %swap3A_59] : memref<32x200x64xf32, #tpu.memory_space<vmem>>, vector<32x200x64xf32>
    tpu.vector_store %arg9[%swap3A, %swap3A_58, %swap3A_59], %concatenate3A {strides = array<i32>} : memref<32x200x64xf32, #tpu.memory_space<vmem>>, vector<32x200x64xf32>,
    %broadcast_in_dim3A_61 = arith.constant 1.000000e+00 : f32
    %broadcast_in_dim3A_62 = vector.broadcast %broadcast_in_dim3A_61 : f32 to vector<32x1xf32>
    %concatenate3A_63 = tpu.concatenate %broadcast_in_dim3A_62, %convert_element_type3A_53 in 1 : vector<32x1xf32>, vector<32x199xf32> -> vector<32x200xf32>
    %swap3A_64 = arith.constant 0 : index
    %swap3A_65 = arith.constant 0 : index
    %swap3A_66 = vector.load %arg10[%swap3A_64, %swap3A_65] : memref<32x200xf32, #tpu.memory_space<vmem>>, vector<32x200xf32>
    tpu.vector_store %arg10[%swap3A_64, %swap3A_65], %concatenate3A_63 {strides = array<i32>} : memref<32x200xf32, #tpu.memory_space<vmem>>, vector<32x200xf32>,
    %get3A_67 = arith.constant 0 : index
    %get3A_68 = arith.constant 0 : index
    %get3A_69 = vector.load %arg5[%get3A_67, %get3A_68] : memref<32x1xi32, #tpu.memory_space<vmem>>, vector<32x1xi32>
    %add3A_70 = arith.constant 1 : i32
    %add3A_71 = vector.broadcast %add3A_70 : i32 to vector<32x1xi32>
    %add3A_72 = arith.addi %get3A_69, %add3A_71 : vector<32x1xi32>
    %swap3A_73 = arith.constant 0 : index
    %swap3A_74 = arith.constant 0 : index
    %swap3A_75 = vector.load %arg12[%swap3A_73, %swap3A_74] : memref<32x1xi32, #tpu.memory_space<vmem>>, vector<32x1xi32>
    tpu.vector_store %arg12[%swap3A_73, %swap3A_74], %add3A_72 {strides = array<i32>} : memref<32x1xi32, #tpu.memory_space<vmem>>, vector<32x1xi32>,
    %iota3A = tpu.iota {dimensions = array<i32: 1>} : vector<32x200xi32>
    %lt3A = vector.broadcast %add3A_72 : vector<32x1xi32> to vector<32x200xi32>
    %lt3A_76 = arith.cmpi slt, %iota3A, %lt3A : vector<32x200xi32>
    %swap3A_77 = arith.constant 0 : index
    %swap3A_78 = arith.constant 0 : index
    %swap3A_79 = vector.load %arg11[%swap3A_77, %swap3A_78] : memref<32x200xi32, #tpu.memory_space<vmem>>, vector<32x200xi32>
    %swap3A_80 = arith.extui %lt3A_76 : vector<32x200xi1> to vector<32x200xi32>
    %swap3A_81 = arith.constant dense<0> : vector<32x200xi32>
    %swap3A_82 = arith.cmpi ne, %swap3A_79, %swap3A_81 : vector<32x200xi32>
    tpu.vector_store %arg11[%swap3A_77, %swap3A_78], %swap3A_80 {strides = array<i32>} : memref<32x200xi32, #tpu.memory_space<vmem>>, vector<32x200xi32>,
    return
  }
  func.func @transform_0(%arg0: i32) -> (i32, i32, i32) {
    %c0_i32 = arith.constant 0 : i32
    %c0_i32_0 = arith.constant 0 : i32
    %c0_i32_1 = arith.constant 0 : i32
    return %arg0, %c0_i32, %c0_i32_0 : i32, i32, i32
  }
  func.func @transform_1(%arg0: i32) -> (i32, i32) {
    %c0_i32 = arith.constant 0 : i32
    %c0_i32_0 = arith.constant 0 : i32
    return %arg0, %c0_i32 : i32, i32
  }
  func.func @transform_2(%arg0: i32) -> (i32, i32, i32) {
    %c0_i32 = arith.constant 0 : i32
    %c0_i32_0 = arith.constant 0 : i32
    %c0_i32_1 = arith.constant 0 : i32
    return %arg0, %c0_i32, %c0_i32_0 : i32, i32, i32
  }
  func.func @transform_3(%arg0: i32) -> (i32, i32) {
    %c0_i32 = arith.constant 0 : i32
    %c0_i32_0 = arith.constant 0 : i32
    return %arg0, %c0_i32 : i32, i32
  }
  func.func @transform_4(%arg0: i32) -> (i32, i32) {
    %c0_i32 = arith.constant 0 : i32
    %c0_i32_0 = arith.constant 0 : i32
    return %arg0, %c0_i32 : i32, i32
  }
  func.func @transform_5(%arg0: i32) -> (i32, i32) {
    %c0_i32 = arith.constant 0 : i32
    %c0_i32_0 = arith.constant 0 : i32
    %c0_i32_1 = arith.constant 0 : i32
    return %c0_i32, %c0_i32_0 : i32, i32
  }
  func.func @transform_6(%arg0: i32) -> (i32, i32) {
    %c0_i32 = arith.constant 0 : i32
    %c0_i32_0 = arith.constant 0 : i32
    %c0_i32_1 = arith.constant 0 : i32
    return %c0_i32, %c0_i32_0 : i32, i32
  }
  func.func @transform_7(%arg0: i32) -> (i32, i32) {
    %c0_i32 = arith.constant 0 : i32
    %c0_i32_0 = arith.constant 0 : i32
    %c0_i32_1 = arith.constant 0 : i32
    return %c0_i32, %c0_i32_0 : i32, i32
  }
  func.func @transform_8(%arg0: i32) -> (i32, i32, i32) {
    %c0_i32 = arith.constant 0 : i32
    %c0_i32_0 = arith.constant 0 : i32
    %c0_i32_1 = arith.constant 0 : i32
    return %arg0, %c0_i32, %c0_i32_0 : i32, i32, i32
  }
  func.func @transform_9(%arg0: i32) -> (i32, i32) {
    %c0_i32 = arith.constant 0 : i32
    %c0_i32_0 = arith.constant 0 : i32
    return %arg0, %c0_i32 : i32, i32
  }
  func.func @transform_10(%arg0: i32) -> (i32, i32) {
    %c0_i32 = arith.constant 0 : i32
    %c0_i32_0 = arith.constant 0 : i32
    return %arg0, %c0_i32 : i32, i32
  }
  func.func @transform_11(%arg0: i32) -> (i32, i32) {
    %c0_i32 = arith.constant 0 : i32
    %c0_i32_0 = arith.constant 0 : i32
    return %arg0, %c0_i32 : i32, i32
  }
}

</mosaic_0001>

<sc_bundles>
// kernel: kernel.5.cloned.1.call-start
scs
__scs_entry_jumppad:
0x0: {  	(pc) =	sbr.rel $0x88, $3  }
0x1: {  	(tag) =	ssettag $0x0;
	lr =	simm.s32 $0x1  }
0x2: {  	[smem:$0x3F82] =	sst lr;
	_ =	strace $0xD0000000  }
0x3: {  	_ = 	snop  }
0x4: {  	_ = 	snop  }
0x5: {  	_ = 	snop  }
0x6: {  	_ = 	snop  }
0x7: {  	_ = 	snop  }
__scs_overlays_trampoline_lowered:
0x8: {  	[smem:$0x3F91] =	sst s0  }
0x9: {  	[smem:$0x3F92] =	sst s1  }
0xa: {  	[smem:$0x3F93] =	sst s2  }
0xb: {  	[smem:$0x3F94] =	sst s3  }
0xc: {  	[smem:$0x3F95] =	sst s4  }
0xd: {  	[smem:$0x3F96] =	sst s5  }
0xe: {  	[smem:$0x3F97] =	sst s6  }
0xf: {  	[smem:$0x3F98] =	sst s7  }
0x10: {  	[smem:$0x3F99] =	sst s8  }
0x11: {  	[smem:$0x3F9A] =	sst s9;
	s0 =	simm.s32 @!p0 $0x0  }
0x12: {  	s1 =	sld [smem:$0x3F80];
	s0 =	simm.s32 @p0 $0x1  }
0x13: {  	[smem:$0x3F9B] =	sst s0;
	s0 =	simm.s32 @!p1 $0x0  }
0x14: {  	s2 =	sld [smem:$0x3F7F];
	s0 =	simm.s32 @p1 $0x1  }
0x15: {  	[smem:$0x3F9C] =	sst s0;
	s0 =	simm.s32 @!p2 $0x0  }
0x16: {  	s3 =	sld [smem:$0x3FDB];
	s0 =	simm.s32 @p2 $0x1  }
0x17: {  	s4 =	simm.s32 $0x1BF5;
	[smem:$0x3F9E] =	sst s0  }
0x18: {  	s0 =	sld [smem:$0x3F81];
	_ =	swait.ge [sflag:s4], $0x0  }
0x19: {  	s7 =	sld [smem:$0x3F82]  }
0x1a: {  	s8 =	sadd.s32 $0xFFFFE003, lr  }
0x1b: {  	s9 =	sadd.s32 $0xFFFFFEF7, lr;
	s5 =	simm.s32 $0xFFFFFFFF;
	p2 =	slt.u32 s8, $0xFFFFF086  }
0x1c: {  	p1 =	slt.u32 s9, $0xF7A;
	s5 =	simm.s32 @!p2 $0x0  }
0x1d: {  	s5 =	simm.s32 @p1 $0x1;
	p0 =	seq.s32 s7, s2  }
0x1e: {  	s7 =	smul.u32 @!p0 $0xF7A, s2;
	p2 =	seq.s32 @!p0 s5, $0x0  }
0x1f: {  	s9 =	smul.u32 $0xF7A, s1;
	s8 =	simm.s32 @!p0 $0x1BF5;
	p2 =	por !p2, p0  }
0x20: {  	[sflag:s8] =	ssyncset.s32 @!p0 $0xFFFFF086;
	s6 =	sadd.s32 @!p0 s3, s7;
	s7 =	simm.s32 @!p0 $0x108  }
0x21: {  	s3 =	sadd.s32 s3, s9;
	s6 =	sadd.s32 @!p0 $0x88, s6;
	s7 =	simm.s32 @p2 $0x1082  }
0x22: {  	[simem:s7], [sflag:s8] =	dma.local @!p0 [hbm:s6], $0xF7A  }
0x23: {  	s9 =	sor.u32 $0xD0000000, s2;
	s6 =	simm.s32 $0x108;
	_ =	swait.ge @!p0 [sflag:s8], $0x0  }
0x24: {  	s3 =	sadd.s32 $0x88, s3;
	s6 =	simm.s32 @!p1 $0x1082;
	[sflag:s4] =	ssyncset.s32 $0xFFFFF086  }
0x25: {  	[simem:s6], [sflag:s4] =	dma.local [hbm:s3], $0xF7A  }
0x26: {  	[smem:$0x3F82] =	sst s1;
	(tag) =	ssettag s2;
	_ =	strace s9  }
0x27: {  	s1 =	sld [smem:$0x3F92]  }
0x28: {  	s2 =	sld [smem:$0x3F93]  }
0x29: {  	s4 =	sld [smem:$0x3F95]  }
0x2a: {  	p0 =	seq.s32 s5, $0x0;
	s5 =	sld [smem:$0x3F96]  }
0x2b: {  	s6 =	sld [smem:$0x3F97]  }
0x2c: {  	s7 =	sld [smem:$0x3F98]  }
0x2d: {  	s3 =	simm.s32 $0x108;
	s8 =	sld [smem:$0x3F99]  }
0x2e: {  	s3 =	simm.s32 @!p0 $0x1082;
	s9 =	sld [smem:$0x3F9A]  }
0x2f: {  	lr =	sadd.s32 s0, s3;
	s0 =	sld [smem:$0x3F91]  }
0x30: {  	s3 =	sld [smem:$0x3F94]  }
0x31: {  	[smem:$0x3F9D] =	sst s10  }
0x32: {  	s10 =	sld [smem:$0x3F9B];
	_ =	sdelay $0x3  }
0x33: {  	p0 =	seq.s32 s10, $0x1;
	s10 =	sld [smem:$0x3F9D];
	_ =	sdelay $0x3  }
0x34: {  	[smem:$0x3F9D] =	sst s10  }
0x35: {  	s10 =	sld [smem:$0x3F9C];
	_ =	sdelay $0x3  }
0x36: {  	p1 =	seq.s32 s10, $0x1;
	s10 =	sld [smem:$0x3F9D];
	_ =	sdelay $0x3  }
0x37: {  	[smem:$0x3F9D] =	sst s10  }
0x38: {  	s10 =	sld [smem:$0x3F9E]  }
0x39: {  	_ = 	snop;
	(pc) =	sbr.ind lr, $3  }
0x3a: {  	_ = 	snop  }
0x3b: {  	_ = 	snop  }
0x3c: {  	p2 =	seq.s32 s10, $0x1;
	s10 =	sld [smem:$0x3F9D]  }
0x3d: {  	_ =	shalt  }
0x3e: {  	_ =	shalt  }
0x3f: {  	_ =	shalt  }
0x40: {  	_ =	shalt  }
0x41: {  	_ =	shalt  }
0x42: {  	_ =	shalt  }
0x43: {  	_ =	shalt  }
0x44: {  	_ =	shalt  }
0x45: {  	_ =	shalt  }
0x46: {  	_ =	shalt  }
0x47: {  	_ =	shalt  }
0x48: {  	_ =	shalt  }
0x49: {  	_ =	shalt  }
0x4a: {  	_ =	shalt  }
0x4b: {  	_ =	shalt  }
0x4c: {  	_ =	shalt  }
0x4d: {  	_ =	shalt  }
0x4e: {  	_ =	shalt  }
0x4f: {  	_ =	shalt  }
0x50: {  	_ =	shalt  }
0x51: {  	_ =	shalt  }
0x52: {  	_ =	shalt  }
0x53: {  	_ =	shalt  }
0x54: {  	_ =	shalt  }
0x55: {  	_ =	shalt  }
0x56: {  	_ =	shalt  }
0x57: {  	_ =	shalt  }
0x58: {  	_ =	shalt  }
0x59: {  	_ =	shalt  }
0x5a: {  	_ =	shalt  }
0x5b: {  	_ =	shalt  }
0x5c: {  	_ =	shalt  }
0x5d: {  	_ =	shalt  }
0x5e: {  	_ =	shalt  }
0x5f: {  	_ =	shalt  }
0x60: {  	_ =	shalt  }
0x61: {  	_ =	shalt  }
0x62: {  	_ =	shalt  }
0x63: {  	_ =	shalt  }
0x64: {  	_ =	shalt  }
0x65: {  	_ =	shalt  }
0x66: {  	_ =	shalt  }
0x67: {  	_ =	shalt  }
0x68: {  	_ =	shalt  }
0x69: {  	_ =	shalt  }
0x6a: {  	_ =	shalt  }
0x6b: {  	_ =	shalt  }
0x6c: {  	_ =	shalt  }
0x6d: {  	_ =	shalt  }
0x6e: {  	_ =	shalt  }
0x6f: {  	_ =	shalt  }
0x70: {  	_ =	shalt  }
0x71: {  	_ =	shalt  }
0x72: {  	_ =	shalt  }
0x73: {  	_ =	shalt  }
0x74: {  	_ =	shalt  }
0x75: {  	_ =	shalt  }
0x76: {  	_ =	shalt  }
0x77: {  	_ =	shalt  }
0x78: {  	_ =	shalt  }
0x79: {  	_ =	shalt  }
0x7a: {  	_ =	shalt  }
0x7b: {  	_ =	shalt  }
0x7c: {  	_ =	shalt  }
0x7d: {  	_ =	shalt  }
0x7e: {  	_ =	shalt  }
0x7f: {  	_ =	shalt  }
0x80: {  	_ =	shalt  }
0x81: {  	_ =	shalt  }
0x82: {  	_ =	shalt  }
0x83: {  	_ =	shalt  }
0x84: {  	_ =	shalt  }
0x85: {  	_ =	shalt  }
0x86: {  	_ =	shalt  }
0x87: {  	_ =	shalt  }
.Lfunc_end0:
.L_simem_size_0:
called_computation_lowered:
.L_overlay_start_0:
0x88: {  	s2 =	sld [smem:$0x3FD9]  }
0x89: {  	s3 =	sld [smem:$0x3FFE];
	_ =	sdelay $0x1  }
0x8a: {  	s1 =	srdreg.scid  }
0x8b: {  	s0 =	sand.u32 $0x1, s1  }
0x8c: {  	s30 =	sshll.u32 s0, $0xA;
	s2 =	sadd.s32 s3, s2  }
0x8d: {  	s2 =	sadd.s32 s2, s30  }
0x8e: {  	[smem:$0x3FA9] =	sst s2  }
0x8f: {  	_ = 	snop  }
0x90: {  	s2 =	sld [smem:$0x3FC1]  }
0x91: {  	s31 =	sld [smem:$0x3FC0]  }
0x92: {  	s4 =	sld [smem:$0x3FBF]  }
0x93: {  	s8 =	sld [smem:$0x3FD0]  }
0x94: {  	s5 =	sld [smem:$0x3FBE]  }
0x95: {  	s6 =	sld [smem:$0x3FBD]  }
0x96: {  	s9 =	simm.s32 $0xA;
	s10 =	simm.s32 $0x10;
	s7 =	sld [smem:$0x3FBC]  }
0x97: {  	[smem:s10], [sflag:s9] =	dma.local [hbm:s8], $0x1  }
0x98: {  	_ =	swait.eq [sflag:s9], $0x1  }
0x99: {  	s10 =	sld [smem:$0x10]  }
0x9a: {  	s17 =	sld [smem:$0x11];
	[sflag:s9] =	ssyncset.done $0x0  }
0x9b: {  	s11 =	sld [smem:$0x12];
	[sflag:s9] =	ssyncadd.s32 $0xFFFFFFFF  }
0x9c: {  	s18 =	sld [smem:$0x13];
	(tm) =	ssettm $0x1  }
0x9d: {  	s12 =	sld [smem:$0x3FFB];
	_ =	sdelay $0x3  }
0x9e: {  	_ =	strace s12  }
0x9f: {  	s12 =	sld [smem:$0x3FFC];
	_ =	sdelay $0x3  }
0xa0: {  	_ =	strace s12  }
0xa1: {  	s12 =	sld [smem:$0x3FFD];
	_ =	sdelay $0x3  }
0xa2: {  	_ =	strace s12  }
0xa3: {  	_ =	strace $0x8FFFFFFF  }
0xa4: {  	s19 =	sld [smem:$0x3FDB];
	_ =	sdelay $0x1  }
0xa5: {  	s13 =	simm.s32 $_scs_section_size  }
0xa6: {  	s14 =	simm.s32 $_size__tile_overlayer_lowered;
	s15 =	simm.s32 $_tile_overlayer_lowered  }
0xa7: {  	s22 =	simm.s32 $0x1BFF;
	s21 =	sshll.u32 s15, $0x1;
	s12 =	sadd.s32 s13, s19  }
0xa8: {  	s16 =	simm.s32 $0x0;
	s20 =	sshll.u32 s14, $0x1;
	s14 =	sadd.s32 s21, s12  }
0xa9: {  	[timem:s16], [sflag:s22] =	dma.local [hbm:s14], s20  }
0xaa: {  	_ =	swait.ge [sflag:s22], s20  }
0xab: {  	s13 =	ssub.s32 $0x0, s20;
	[sflag:s22] =	ssyncset.done $0x0  }
0xac: {  	[sflag:s22] =	ssyncadd.s32 s13;
	_ =	sdelay $0x1  }
0xad: {  	s23 =	simm.s32 $0x1B8B  }
0xae: {  	_ =	swait.ge [sflag:s23], $0x1  }
0xaf: {  	[sflag:s23] =	ssyncset.done $0x0  }
0xb0: {  	s25 =	simm.s32 $0x1B8E;
	s24 =	sld [smem:$0x3FFE];
	[sflag:s23] =	ssyncadd.s32 $0xFFFFFFFF  }
0xb1: {  	s26 =	simm.s32 $execute0_lowered;
	[smem:$0x3FD2] =	sst s25  }
0xb2: {  	s14 =	sshll.u32 s26, $0x1;
	_ =	strace $0x80000046;
	[dreg:$0x1] =	wrdreg $0xFFFFFFFF  }
0xb3: {  	s28 =	simm.s32 $_size_execute0_lowered;
	s12 =	sadd.s32 s12, s14;
	[dreg:$0x0] =	wrdreg $0x0  }
0xb4: {  	s14 =	sshll.u32 s28, $0x1;
	[dreg:$0x2] =	wrdreg s12  }
0xb5: {  	[dreg:$0x3] =	wrdreg s14  }
0xb6: {  	[dreg:$0x4] =	wrdreg $0xC0  }
0xb7: {  	_ =	task [dreg:s16], $0x5FFFF  }
0xb8: {  	[dreg:$0x1] =	wrdreg $0xFFFFFFFF  }
0xb9: {  	[dreg:$0x0] =	wrdreg $0x60  }
0xba: {  	[dreg:$0x2] =	wrdreg s24  }
0xbb: {  	[dreg:$0x3] =	wrdreg s11  }
0xbc: {  	[dreg:$0x4] =	wrdreg s10  }
0xbd: {  	[dreg:$0x5] =	wrdreg s18  }
0xbe: {  	[dreg:$0x6] =	wrdreg s2  }
0xbf: {  	[dreg:$0x7] =	wrdreg s31  }
0xc0: {  	[dreg:$0x8] =	wrdreg s4  }
0xc1: {  	[dreg:$0x9] =	wrdreg s5  }
0xc2: {  	[dreg:$0xa] =	wrdreg s6  }
0xc3: {  	[dreg:$0xb] =	wrdreg s7  }
0xc4: {  	[dreg:$0xc] =	wrdreg s17  }
0xc5: {  	[dreg:$0xd] =	wrdreg $0x9  }
0xc6: {  	_ =	task.clear_ibuf [dreg:s16], $0xEFFFF;
	_ =	strace $0x90000046  }
0xc7: {  	s29 =	simm.s32 $0x9;
	_ =	strace $0x80000048  }
0xc8: {  	_ =	swait.ge [sflag:s29], $0x1  }
0xc9: {  	[sflag:s29] =	ssyncadd.s32 $0xFFFFFFFF  }
0xca: {  	_ =	strace $0x90000048  }
0xcb: {  	_ =	sfence  }
0xcc: {  	s30 =	sld [smem:$0x0];
	_ =	sdelay $0x2  }
0xcd: {  	s31 =	sshll.u32 s1, $0xD;
	s1 =	sshrl.u32 s1, $0x2  }
0xce: {  	s3 =	sand.u32 $0x4000, s31;
	s1 =	sadd.s32 s1, s30  }
0xcf: {  	s0 =	sor.u32 s3, s0;
	s1 =	sshll.u32 s1, $0x11  }
0xd0: {  	s0 =	sor.u32 s1, s0  }
0xd1: {  	s0 =	sadd.s32 $0x8F2B, s0  }
0xd2: {  	[sflag:s0] =	ssyncadd.remote.s32 $0x1  }
0xd3: {  	_ =	sfence.sel $0xFFFF  }
0xd4: {  	[dreg:$0x0] =	wrdreg $0xFFFFFFFF;
	(pc) =	sbr.abs _section_cstart, $3  }
0xd5: {  	[dreg:$0x1] =	wrdreg $0xFFFFFFFF  }
0xd6: {  	_ =	task.clear_ibuf [dreg:s16], $0x2FFFF;
	_ =	strace $0x9FFFFFFF  }
0xd7: {  	(tm) =	ssettm $0x7FFFFFFF  }
tec
execute0_lowered:
.L_overlay_start_1:
0x0: {  	(tag) =	ssettag $0x1  }
0x1: {  	s0 =	rddreg [dreg:$0x0]  }
0x2: {  	s1 =	rddreg [dreg:$0x1]  }
0x3: {  	s2 =	rddreg [dreg:$0x4]  }
0x4: {  	s3 =	rddreg [dreg:$0x5]  }
0x5: {  	s11 =	rddreg [dreg:$0x6]  }
0x6: {  	s12 =	rddreg [dreg:$0x7]  }
0x7: {  	s13 =	rddreg [dreg:$0x8]  }
0x8: {  	s14 =	rddreg [dreg:$0x9]  }
0x9: {  	s4 =	rddreg [dreg:$0xa];
	s5 =	simm.s32 $0x0  }
0xa: {  	s6 =	srdreg.scid;
	s7 =	stileid.u32;
	s30 =	simm.s32 $0x7D00  }
0xb: {  	s31 =	simm.s32 $0x9D00;
	[smem:$0x7FF] =	sst s5;
	s15 =	sand.u32 $0x1, s6  }
0xc: {  	s24 =	sshll.u32 s7, $0x1;
	s6 =	sadd.s32 $0xF46200, s0;
	s7 =	sadd.s32 $0x3C00, s0  }
0xd: {  	s8 =	sadd.s32 $0x17600, s0;
	s9 =	sadd.s32 $0x1B600, s0;
	s19 =	sadd.s32 $0x51200, s0  }
0xe: {  	s25 =	sadd.s32 $0x51400, s0;
	_ =	strace $0x80000047;
	[dreg:$0xc] =	wrdreg s19  }
0xf: {  	s10 =	sadd.s32 $0x20600, s0;
	s21 =	sadd.s32 $0x51600, s0;
	[dreg:$0xd] =	wrdreg s25  }
0x10: {  	s16 =	sor.u32 s15, s24;
	s15 =	ssub.s32 $0x2, s15;
	[dreg:$0x15] =	wrdreg s21  }
0x11: {  	s21 =	simm.s32 $0x11D60;
	s17 =	smul.u32 $0x320, s16;
	s28 =	sshll.u32 s16, $0x2  }
0x12: {  	s26 =	sshrl.u32 s15, $0x1;
	s29 =	sshll.u32 s16, $0x8;
	s2 =	sadd.s32 s2, s28  }
0x13: {  	s15 =	ssub.s32 s15, s26;
	s3 =	sadd.s32 s3, s28;
	[dreg:$0xf] =	wrdreg s2  }
0x14: {  	s11 =	sadd.s32 s11, s28;
	s19 =	sadd.s32 s12, s28;
	[dreg:$0x10] =	wrdreg s3  }
0x15: {  	s20 =	sadd.s32 s13, s28;
	s22 =	sadd.s32 s29, s0;
	[dreg:$0x11] =	wrdreg s11  }
0x16: {  	s12 =	simm.s32 $0x40;
	s13 =	simm.s32 $0x80;
	[dreg:$0x12] =	wrdreg s19  }
0x17: {  	s18 =	sadd.s32 s17, s0;
	s1 =	sadd.s32 s1, s17;
	[dreg:$0x13] =	wrdreg s20  }
0x18: {  	s0 =	sadd.s32 $0x55600, s0;
	s29 =	smax.u32 s15, $0x1;
	[dreg:$0xe] =	wrdreg s1  }
0x19: {  	s2 =	simm.s32 $0xBD00;
	s3 =	simm.s32 $0xDD00;
	[dreg:$0x16] =	wrdreg s0  }
0x1a: {  	s11 =	simm.s32 $0xFD00;
	s1 =	sadd.s32 s14, s28;
	[dreg:$0x1c] =	wrdreg s29  }
0x1b: {  	s15 =	simm.s32 $0x60;
	s23 =	sadd.s32 $0x38200, s18;
	[dreg:$0x14] =	wrdreg s1  }
0x1c: {  	s17 =	simm.s32 $0x3;
	s24 =	sadd.s32 $0x3E600, s18;
	[dreg:$0x17] =	wrdreg s23  }
0x1d: {  	s25 =	sadd.s32 $0x44A00, s18;
	s26 =	sadd.s32 $0x4AE00, s18;
	[dreg:$0x18] =	wrdreg s24  }
0x1e: {  	s28 =	sadd.s32 $0x55800, s22;
	s0 =	simm.s32 $0x1;
	[dreg:$0x19] =	wrdreg s25  }
0x1f: {  	s14 =	simm.s32 $0x2;
	s18 =	simm.s32 $0x20;
	[dreg:$0x1a] =	wrdreg s26  }
0x20: {  	s22 =	simm.s32 $0x11D80;
	s26 =	sshll.u32 s16, $0x4;
	[dreg:$0x1b] =	wrdreg s28  }
0x21: {  	s1 =	simm.s32 $0x68;
	s23 =	simm.s32 $0x11DA0;
	s24 =	simm.s32 $0x0  }
.LBB2_1:
0x22: {  	s16 =	rddreg [dreg:$0xe]  }
0x23: {  	[tilespmem:s5], [sflag:$0x1] =	stream.linear.gather [hbm4b:s16+s5], $0x1900, $0x38;
	[tilespmem:$0x155C0] =	vst v63  }
0x24: {  	s25 =	rddreg [dreg:$0x17];
	s19 =	simm.s32 $0x1900  }
0x25: {  	[tilespmem:s19], [sflag:$0x1] =	stream.linear.gather [hbm4b:s25+s5], $0x1900, $0x38;
	[tilespmem:$0x155C0] =	vst v63  }
0x26: {  	s28 =	rddreg [dreg:$0x18];
	s29 =	simm.s32 $0x3200  }
0x27: {  	[tilespmem:s29], [sflag:$0x1] =	stream.linear.gather [hbm4b:s28+s5], $0x1900, $0x38;
	[tilespmem:$0x155C0] =	vst v63  }
0x28: {  	s20 =	rddreg [dreg:$0x19];
	s25 =	simm.s32 $0x4B00  }
0x29: {  	[tilespmem:s25], [sflag:$0x1] =	stream.linear.gather [hbm4b:s20+s5], $0x1900, $0x38;
	[tilespmem:$0x155C0] =	vst v63  }
0x2a: {  	s28 =	rddreg [dreg:$0x1a];
	s29 =	simm.s32 $0x6400  }
0x2b: {  	[tilespmem:s29], [sflag:$0x1] =	stream.linear.gather [hbm4b:s28+s5], $0x1900, $0x38;
	[tilespmem:$0x155C0] =	vst v63  }
0x2c: {  	_ =	swait.ge [sflag:s0], $0x1900  }
0x2d: {  	[sflag:s0] =	ssyncset.done $0x0  }
0x2e: {  	[sflag:s0] =	ssyncadd.s32 $0xFFFFE700  }
0x2f: {  	_ =	swait.ge [sflag:s0], $0x1900  }
0x30: {  	[sflag:s0] =	ssyncset.done $0x0  }
0x31: {  	[sflag:s0] =	ssyncadd.s32 $0xFFFFE700  }
0x32: {  	_ =	swait.ge [sflag:s0], $0x1900  }
0x33: {  	[sflag:s0] =	ssyncset.done $0x0  }
0x34: {  	[sflag:s0] =	ssyncadd.s32 $0xFFFFE700  }
0x35: {  	_ =	swait.ge [sflag:s0], $0x1900  }
0x36: {  	[sflag:s0] =	ssyncset.done $0x0  }
0x37: {  	[sflag:s0] =	ssyncadd.s32 $0xFFFFE700  }
0x38: {  	_ =	swait.ge [sflag:s0], $0x1900  }
0x39: {  	[sflag:s0] =	ssyncset.done $0x0  }
0x3a: {  	s25 =	simm.s32 $0x0;
	[sflag:s0] =	ssyncadd.s32 $0xFFFFE700  }
.LBB2_2:
0x3b: {  	s28 =	smul.u32 $0xC8, s25;
	_ =	sdelay $0x1  }
0x3c: {  	[tilespmem:s30], [sflag:$0x1] =	stream.indirect.gather [hbm4b:s6+s1], $0x40, s28, s1, $0xb8;
	[tilespmem:$0x155C0] =	vst v63  }
0x3d: {  	s16 =	sadd.s32 $0x1900, s28  }
0x3e: {  	[tilespmem:s31], [sflag:$0x1] =	stream.indirect.gather [hbm4b:s7+s1], $0x40, s16, s1, $0xb8;
	[tilespmem:$0x155C0] =	vst v63  }
0x3f: {  	s19 =	sadd.s32 $0x3200, s28  }
0x40: {  	[tilespmem:s2], [sflag:$0x1] =	stream.indirect.gather [hbm4b:s8+s1], $0x40, s19, s1, $0xb8;
	[tilespmem:$0x155C0] =	vst v63  }
0x41: {  	s20 =	sadd.s32 $0x4B00, s28  }
0x42: {  	[tilespmem:s3], [sflag:$0x1] =	stream.indirect.gather [hbm4b:s9+s1], $0x40, s20, s1, $0xb8;
	[tilespmem:$0x155C0] =	vst v63  }
0x43: {  	s29 =	sadd.s32 $0x6400, s28  }
0x44: {  	[tilespmem:s11], [sflag:$0x1] =	stream.indirect.gather [hbm4b:s10+s1], $0x40, s29, s1, $0xb8;
	[tilespmem:$0x155C0] =	vst v63  }
0x45: {  	_ =	swait.ge [sflag:s0], $0x1A00  }
0x46: {  	[sflag:s0] =	ssyncset.done $0x0  }
0x47: {  	[sflag:s0] =	ssyncadd.s32 $0xFFFFE600  }
0x48: {  	_ =	swait.ge [sflag:s0], $0x1A00  }
0x49: {  	[sflag:s0] =	ssyncset.done $0x0  }
0x4a: {  	[sflag:s0] =	ssyncadd.s32 $0xFFFFE600  }
0x4b: {  	_ =	swait.ge [sflag:s0], $0x1A00  }
0x4c: {  	[sflag:s0] =	ssyncset.done $0x0  }
0x4d: {  	[sflag:s0] =	ssyncadd.s32 $0xFFFFE600  }
0x4e: {  	_ =	swait.ge [sflag:s0], $0x1A00  }
0x4f: {  	[sflag:s0] =	ssyncset.done $0x0  }
0x50: {  	[sflag:s0] =	ssyncadd.s32 $0xFFFFE600  }
0x51: {  	_ =	swait.ge [sflag:s0], $0x1A00  }
0x52: {  	[sflag:s0] =	ssyncset.done $0x0  }
0x53: {  	s19 =	simm.s32 $0x0;
	[sflag:s0] =	ssyncadd.s32 $0xFFFFE600  }
0x54: {  	v1 =	vld [tilespmem:s19+$0xFD00]  }
0x55: {  	v0 =	vld [tilespmem:s19+$0xFD10]  }
0x56: {  	v3 =	vld [tilespmem:s19+$0xDD00]  }
0x57: {  	v2 =	vld [tilespmem:s19+$0xDD10]  }
0x58: {  	v5 =	vld [tilespmem:s19+$0xBD00]  }
0x59: {  	v4 =	vld [tilespmem:s19+$0xBD10]  }
0x5a: {  	v8 =	vld [tilespmem:s19+$0x9D00]  }
0x5b: {  	v9 =	vld [tilespmem:s19+$0x9D10]  }
0x5c: {  	v7 =	vld [tilespmem:s19+$0x9D20]  }
0x5d: {  	v6 =	vld [tilespmem:s19+$0x9D30]  }
0x5e: {  	v12 =	vld [tilespmem:s19+$0x7D00]  }
0x5f: {  	v11 =	vld [tilespmem:s19+$0x7D10]  }
0x60: {  	s16 =	simm.s32 $0x100;
	v10 =	vld [tilespmem:s19+$0x7D20]  }
.LBB2_3:
0x61: {  	p0 =	sne.s32 s16, $0x6700;
	v13 =	vld [tilespmem:s19+$0x7D30]  }
0x62: {  	v14 =	vld [tilespmem:s19+$0xBD20]  }
0x63: {  	v8 =	vadd.f32 v8, v12;
	v12 =	vld [tilespmem:s19+$0xBD30]  }
0x64: {  	v9 =	vadd.f32 v9, v11;
	v11 =	vld [tilespmem:s19+$0xDD20]  }
0x65: {  	v5 =	vadd.f32 v5, v8;
	v7 =	vadd.f32 v7, v10;
	v8 =	vld [tilespmem:s19+$0xDD30]  }
0x66: {  	v4 =	vadd.f32 v4, v9;
	v9 =	vld [tilespmem:s19+$0xFD20];
	v6 =	vadd.f32 v6, v13  }
0x67: {  	s29 =	sshra.s32 s16, $0x2;
	v3 =	vadd.f32 v3, v5;
	v5 =	vadd.f32 v14, v7;
	v7 =	vld [tilespmem:s19+$0xFD30]  }
0x68: {  	v10 =	vld [tilespmem:s29+$0xFD00];
	v2 =	vadd.f32 v2, v4;
	v4 =	vadd.f32 v12, v6  }
0x69: {  	v6 =	vld [tilespmem:s29+$0xFD10];
	v1 =	vadd.f32 v1, v3;
	v5 =	vadd.f32 v11, v5  }
0x6a: {  	v3 =	vld [tilespmem:s29+$0xDD00];
	v0 =	vadd.f32 v0, v2;
	v4 =	vadd.f32 v8, v4  }
0x6b: {  	v2 =	vld [tilespmem:s29+$0xDD10];
	[tilespmem:s19+$0x7D00] =	vst v1;
	v8 =	vadd.f32 v9, v5  }
0x6c: {  	v5 =	vld [tilespmem:s29+$0xBD00];
	[tilespmem:s19+$0x7D10] =	vst v0;
	v7 =	vadd.f32 v7, v4  }
0x6d: {  	v4 =	vld [tilespmem:s29+$0xBD10];
	[tilespmem:s19+$0x7D20] =	vst v8;
	v1 =	vmov v10  }
0x6e: {  	v8 =	vld [tilespmem:s29+$0x9D00];
	[tilespmem:s19+$0x7D30] =	vst v7;
	v0 =	vmov v6;
	s19 =	smov.u32 s29  }
0x6f: {  	v9 =	vld [tilespmem:s19+$0x9D10]  }
.Ltmp0:
0x70: {  	v7 =	vld [tilespmem:s19+$0x9D20];
	(pc) =	sbr.rel @p0 .LBB2_3-.Ltmp0, $4  }
0x71: {  	v6 =	vld [tilespmem:s19+$0x9D30]  }
0x72: {  	v12 =	vld [tilespmem:s19+$0x7D00]  }
0x73: {  	v11 =	vld [tilespmem:s19+$0x7D10]  }
0x74: {  	s16 =	sadd.s32 $0x100, s16;
	v10 =	vld [tilespmem:s19+$0x7D20]  }
0x75: {  	v13 =	vld [tilespmem:s19+$0x7D30]  }
0x76: {  	v14 =	vld [tilespmem:s19+$0xBD20]  }
0x77: {  	v8 =	vadd.f32 v8, v12;
	v12 =	vld [tilespmem:s19+$0xBD30]  }
0x78: {  	v9 =	vadd.f32 v9, v11;
	v11 =	vld [tilespmem:s19+$0xDD20]  }
0x79: {  	v5 =	vadd.f32 v5, v8;
	v7 =	vadd.f32 v7, v10;
	v8 =	vld [tilespmem:s19+$0xDD30]  }
0x7a: {  	v4 =	vadd.f32 v4, v9;
	v9 =	vld [tilespmem:s19+$0xFD20];
	v6 =	vadd.f32 v6, v13  }
0x7b: {  	v3 =	vadd.f32 v3, v5;
	v5 =	vadd.f32 v14, v7;
	v7 =	vld [tilespmem:s19+$0xFD30]  }
0x7c: {  	s16 =	sshrl.u32 s25, $0x1;
	v2 =	vadd.f32 v2, v4;
	v4 =	vadd.f32 v12, v6  }
0x7d: {  	s16 =	sadd.s32 s26, s16;
	v1 =	vadd.f32 v1, v3;
	v3 =	vadd.f32 v11, v5  }
0x7e: {  	s20 =	sshll.u32 s25, $0x6;
	s29 =	smul.u32 $0x6400, s16;
	v0 =	vadd.f32 v0, v2;
	v2 =	vadd.f32 v8, v4  }
0x7f: {  	s16 =	sand.u32 $0x40, s20;
	[tilespmem:s19+$0x7D00] =	vst v1;
	v1 =	vadd.f32 v9, v3  }
0x80: {  	s20 =	sor.u32 s16, s29;
	[tilespmem:s19+$0x7D10] =	vst v0;
	v0 =	vadd.f32 v7, v2  }
0x81: {  	s20 =	sshrl.u32 s20, $0x3;
	[tilespmem:s19+$0x7D20] =	vst v1  }
0x82: {  	s20 =	sadd.s32 s4, s20;
	[tilespmem:s19+$0x7D30] =	vst v0  }
0x83: {  	[hbm4b:s20+s12] =	stream.strided.scatter [tilespmem:s30], [sflag:$0x2], $0x1A00, s13, s12, $0x38;
	[tilespmem:$0x155C0] =	vst v63  }
0x84: {  	_ =	swait.ge [sflag:s14], $0x1A00  }
0x85: {  	[sflag:s14] =	ssyncset.done $0x0  }
0x86: {  	s20 =	sadd.s32 $0x68, s28;
	[sflag:s14] =	ssyncadd.s32 $0xFFFFE600  }
0x87: {  	[tilespmem:s30], [sflag:$0x1] =	stream.indirect.gather [hbm4b:s6+s15], $0x40, s20, s15, $0xb8;
	[tilespmem:$0x155C0] =	vst v63  }
0x88: {  	s20 =	sadd.s32 $0x1968, s28  }
0x89: {  	[tilespmem:s31], [sflag:$0x1] =	stream.indirect.gather [hbm4b:s7+s15], $0x40, s20, s15, $0xb8;
	[tilespmem:$0x155C0] =	vst v63  }
0x8a: {  	s20 =	sadd.s32 $0x3268, s28  }
0x8b: {  	[tilespmem:s2], [sflag:$0x1] =	stream.indirect.gather [hbm4b:s8+s15], $0x40, s20, s15, $0xb8;
	[tilespmem:$0x155C0] =	vst v63  }
0x8c: {  	s20 =	sadd.s32 $0x4B68, s28  }
0x8d: {  	[tilespmem:s3], [sflag:$0x1] =	stream.indirect.gather [hbm4b:s9+s15], $0x40, s20, s15, $0xb8;
	[tilespmem:$0x155C0] =	vst v63  }
0x8e: {  	s20 =	sadd.s32 $0x6468, s28  }
0x8f: {  	[tilespmem:s11], [sflag:$0x1] =	stream.indirect.gather [hbm4b:s10+s15], $0x40, s20, s15, $0xb8;
	[tilespmem:$0x155C0] =	vst v63  }
0x90: {  	_ =	swait.ge [sflag:s0], $0x1800  }
0x91: {  	[sflag:s0] =	ssyncset.done $0x0  }
0x92: {  	[sflag:s0] =	ssyncadd.s32 $0xFFFFE800  }
0x93: {  	_ =	swait.ge [sflag:s0], $0x1800  }
0x94: {  	[sflag:s0] =	ssyncset.done $0x0  }
0x95: {  	[sflag:s0] =	ssyncadd.s32 $0xFFFFE800  }
0x96: {  	_ =	swait.ge [sflag:s0], $0x1800  }
0x97: {  	[sflag:s0] =	ssyncset.done $0x0  }
0x98: {  	[sflag:s0] =	ssyncadd.s32 $0xFFFFE800  }
0x99: {  	_ =	swait.ge [sflag:s0], $0x1800  }
0x9a: {  	[sflag:s0] =	ssyncset.done $0x0  }
0x9b: {  	[sflag:s0] =	ssyncadd.s32 $0xFFFFE800  }
0x9c: {  	_ =	swait.ge [sflag:s0], $0x1800  }
0x9d: {  	[sflag:s0] =	ssyncset.done $0x0  }
0x9e: {  	s19 =	simm.s32 $0x0;
	[sflag:s0] =	ssyncadd.s32 $0xFFFFE800  }
0x9f: {  	v2 =	vld [tilespmem:s19+$0xFD00]  }
0xa0: {  	v0 =	vld [tilespmem:s19+$0xFD10]  }
0xa1: {  	v3 =	vld [tilespmem:s19+$0xDD00]  }
0xa2: {  	v1 =	vld [tilespmem:s19+$0xDD10]  }
0xa3: {  	v5 =	vld [tilespmem:s19+$0xBD00]  }
0xa4: {  	v4 =	vld [tilespmem:s19+$0xBD10]  }
0xa5: {  	v8 =	vld [tilespmem:s19+$0x9D00]  }
0xa6: {  	v9 =	vld [tilespmem:s19+$0x9D10]  }
0xa7: {  	v7 =	vld [tilespmem:s19+$0x9D20]  }
0xa8: {  	v6 =	vld [tilespmem:s19+$0x9D30]  }
0xa9: {  	v12 =	vld [tilespmem:s19+$0x7D00]  }
0xaa: {  	v11 =	vld [tilespmem:s19+$0x7D10]  }
0xab: {  	s28 =	simm.s32 $0x100;
	v10 =	vld [tilespmem:s19+$0x7D20]  }
.LBB2_5:
0xac: {  	p0 =	sne.s32 s28, $0x5F00;
	v13 =	vld [tilespmem:s19+$0x7D30]  }
0xad: {  	v14 =	vld [tilespmem:s19+$0xBD20]  }
0xae: {  	v8 =	vadd.f32 v8, v12;
	v12 =	vld [tilespmem:s19+$0xBD30]  }
0xaf: {  	v9 =	vadd.f32 v9, v11;
	v11 =	vld [tilespmem:s19+$0xDD20]  }
0xb0: {  	v5 =	vadd.f32 v5, v8;
	v7 =	vadd.f32 v7, v10;
	v8 =	vld [tilespmem:s19+$0xDD30]  }
0xb1: {  	v4 =	vadd.f32 v4, v9;
	v9 =	vld [tilespmem:s19+$0xFD20];
	v6 =	vadd.f32 v6, v13  }
0xb2: {  	s20 =	sshra.s32 s28, $0x2;
	v3 =	vadd.f32 v3, v5;
	v5 =	vadd.f32 v14, v7;
	v7 =	vld [tilespmem:s19+$0xFD30]  }
0xb3: {  	v10 =	vld [tilespmem:s20+$0xFD00];
	v1 =	vadd.f32 v1, v4;
	v4 =	vadd.f32 v12, v6  }
0xb4: {  	v6 =	vld [tilespmem:s20+$0xFD10];
	v2 =	vadd.f32 v2, v3;
	v5 =	vadd.f32 v11, v5  }
0xb5: {  	v3 =	vld [tilespmem:s20+$0xDD00];
	v0 =	vadd.f32 v0, v1;
	v4 =	vadd.f32 v8, v4  }
0xb6: {  	v1 =	vld [tilespmem:s20+$0xDD10];
	[tilespmem:s19+$0x7D00] =	vst v2;
	v8 =	vadd.f32 v9, v5  }
0xb7: {  	v5 =	vld [tilespmem:s20+$0xBD00];
	[tilespmem:s19+$0x7D10] =	vst v0;
	v7 =	vadd.f32 v7, v4  }
0xb8: {  	v4 =	vld [tilespmem:s20+$0xBD10];
	[tilespmem:s19+$0x7D20] =	vst v8;
	v2 =	vmov v10  }
0xb9: {  	v8 =	vld [tilespmem:s20+$0x9D00];
	[tilespmem:s19+$0x7D30] =	vst v7;
	v0 =	vmov v6;
	s19 =	smov.u32 s20  }
0xba: {  	v9 =	vld [tilespmem:s19+$0x9D10]  }
.Ltmp1:
0xbb: {  	v7 =	vld [tilespmem:s19+$0x9D20];
	(pc) =	sbr.rel @p0 .LBB2_5-.Ltmp1, $4  }
0xbc: {  	v6 =	vld [tilespmem:s19+$0x9D30]  }
0xbd: {  	v12 =	vld [tilespmem:s19+$0x7D00]  }
0xbe: {  	v11 =	vld [tilespmem:s19+$0x7D10]  }
0xbf: {  	s28 =	sadd.s32 $0x100, s28;
	v10 =	vld [tilespmem:s19+$0x7D20]  }
0xc0: {  	v13 =	vld [tilespmem:s19+$0x7D30]  }
0xc1: {  	v14 =	vld [tilespmem:s19+$0xBD20]  }
0xc2: {  	v53 =	vld [tilespmem:s19+$0xBD30];
	v8 =	vadd.f32 v8, v12  }
0xc3: {  	v54 =	vld [tilespmem:s19+$0xDD20];
	v9 =	vadd.f32 v9, v11  }
0xc4: {  	v55 =	vld [tilespmem:s19+$0xDD30];
	v5 =	vadd.f32 v5, v8;
	v7 =	vadd.f32 v7, v10  }
0xc5: {  	v56 =	vld [tilespmem:s19+$0xFD20];
	v4 =	vadd.f32 v4, v9;
	v6 =	vadd.f32 v6, v13  }
0xc6: {  	v58 =	vld [tilespmem:s19+$0xFD30];
	v3 =	vadd.f32 v3, v5;
	v57 =	vadd.f32 v14, v7  }
0xc7: {  	v1 =	vadd.f32 v1, v4;
	v59 =	vadd.f32 v53, v6  }
0xc8: {  	v2 =	vadd.f32 v2, v3;
	v60 =	vadd.f32 v54, v57  }
0xc9: {  	v0 =	vadd.f32 v0, v1;
	v61 =	vadd.f32 v55, v59  }
0xca: {  	s16 =	sadd.s32 s16, s29;
	[tilespmem:s19+$0x7D00] =	vst v2;
	v62 =	vadd.f32 v56, v60  }
0xcb: {  	s25 =	sadd.s32 $0x1, s25;
	s16 =	sadd.s32 $0x3400, s16;
	[tilespmem:s19+$0x7D10] =	vst v0;
	v63 =	vadd.f32 v58, v61  }
0xcc: {  	p0 =	sne.s32 s25, $0x20;
	s16 =	sshrl.u32 s16, $0x3;
	[tilespmem:s19+$0x7D20] =	vst v62  }
.Ltmp2:
0xcd: {  	s16 =	sadd.s32 s4, s16;
	[tilespmem:s19+$0x7D30] =	vst v63;
	(pc) =	sbr.rel @p0 .LBB2_2-.Ltmp2, $4  }
0xce: {  	[hbm4b:s16+s12] =	stream.strided.scatter [tilespmem:s30], [sflag:$0x2], $0x1800, s13, s12, $0x38;
	[tilespmem:$0x155C0] =	vst v63  }
0xcf: {  	_ =	swait.ge [sflag:s14], $0x1800  }
0xd0: {  	[sflag:s14] =	ssyncset.done $0x0  }
0xd1: {  	[sflag:s14] =	ssyncadd.s32 $0xFFFFE800  }
0xd2: {  	s16 =	simm.s32 $0x0;
	s19 =	rddreg [dreg:$0xf];
	s20 =	simm.s32 $0x11D00  }
0xd3: {  	[tilespmem:s20], [sflag:$0x3] =	stream.linear.gather [hbm4b:s19+s16], $0x20, $0x38;
	[tilespmem:$0x155C0] =	vst v63  }
0xd4: {  	_ =	swait.ge [sflag:s17], $0x20  }
0xd5: {  	[sflag:s17] =	ssyncset.done $0x0  }
0xd6: {  	s25 =	simm.s32 $0x11DC0;
	s19 =	rddreg [dreg:$0xc];
	[sflag:s17] =	ssyncadd.s32 $0xFFFFFFE0  }
0xd7: {  	[tilespmem:s25], [sflag:$0x1] =	stream.indirect.gather [hbm4b:s19+s18], $0x40, s20, s18, $0xb8;
	[tilespmem:$0x155C0] =	vst v63  }
0xd8: {  	s25 =	rddreg [dreg:$0x10];
	s20 =	simm.s32 $0x11D20  }
0xd9: {  	[tilespmem:s20], [sflag:$0x3] =	stream.linear.gather [hbm4b:s25+s16], $0x20, $0x38;
	[tilespmem:$0x155C0] =	vst v63  }
0xda: {  	_ =	swait.ge [sflag:s17], $0x20  }
0xdb: {  	[sflag:s17] =	ssyncset.done $0x0  }
0xdc: {  	[sflag:s17] =	ssyncadd.s32 $0xFFFFFFE0  }
0xdd: {  	s25 =	simm.s32 $0x125C0;
	s19 =	rddreg [dreg:$0x2]  }
0xde: {  	[tilespmem:s25], [sflag:$0x1] =	stream.indirect.gather [hbm4b:s19+s18], $0x40, s20, s18, $0xb8;
	[tilespmem:$0x155C0] =	vst v63  }
0xdf: {  	s25 =	rddreg [dreg:$0x11];
	s20 =	simm.s32 $0x11D40  }
0xe0: {  	[tilespmem:s20], [sflag:$0x3] =	stream.linear.gather [hbm4b:s25+s16], $0x20, $0x38;
	[tilespmem:$0x155C0] =	vst v63  }
0xe1: {  	_ =	swait.ge [sflag:s17], $0x20  }
0xe2: {  	[sflag:s17] =	ssyncset.done $0x0  }
0xe3: {  	s25 =	simm.s32 $0x12DC0;
	s19 =	rddreg [dreg:$0xd];
	[sflag:s17] =	ssyncadd.s32 $0xFFFFFFE0  }
0xe4: {  	[tilespmem:s25], [sflag:$0x1] =	stream.indirect.gather [hbm4b:s19+s18], $0x40, s20, s18, $0xb8;
	[tilespmem:$0x155C0] =	vst v63  }
0xe5: {  	s25 =	rddreg [dreg:$0x12]  }
0xe6: {  	[tilespmem:s21], [sflag:$0x3] =	stream.linear.gather [hbm4b:s25+s16], $0x20, $0x38;
	[tilespmem:$0x155C0] =	vst v63  }
0xe7: {  	_ =	swait.ge [sflag:s17], $0x20  }
0xe8: {  	[sflag:s17] =	ssyncset.done $0x0  }
0xe9: {  	[sflag:s17] =	ssyncadd.s32 $0xFFFFFFE0  }
0xea: {  	s25 =	simm.s32 $0x135C0;
	s20 =	rddreg [dreg:$0x3]  }
0xeb: {  	[tilespmem:s25], [sflag:$0x1] =	stream.indirect.gather [hbm4b:s20+s18], $0x40, s21, s18, $0xb8;
	[tilespmem:$0x155C0] =	vst v63  }
0xec: {  	s25 =	rddreg [dreg:$0x13]  }
0xed: {  	[tilespmem:s22], [sflag:$0x3] =	stream.linear.gather [hbm4b:s25+s16], $0x20, $0x38;
	[tilespmem:$0x155C0] =	vst v63  }
0xee: {  	_ =	swait.ge [sflag:s17], $0x20  }
0xef: {  	[sflag:s17] =	ssyncset.done $0x0  }
0xf0: {  	s25 =	simm.s32 $0x13DC0;
	s20 =	rddreg [dreg:$0x15];
	[sflag:s17] =	ssyncadd.s32 $0xFFFFFFE0  }
0xf1: {  	[tilespmem:s25], [sflag:$0x1] =	stream.indirect.gather [hbm4b:s20+s18], $0x40, s22, s18, $0xb8;
	[tilespmem:$0x155C0] =	vst v63  }
0xf2: {  	s25 =	rddreg [dreg:$0x14]  }
0xf3: {  	[tilespmem:s23], [sflag:$0x3] =	stream.linear.gather [hbm4b:s25+s16], $0x20, $0x38;
	[tilespmem:$0x155C0] =	vst v63  }
0xf4: {  	_ =	swait.ge [sflag:s17], $0x20  }
0xf5: {  	[sflag:s17] =	ssyncset.done $0x0  }
0xf6: {  	s25 =	simm.s32 $0x145C0;
	s20 =	rddreg [dreg:$0x16];
	[sflag:s17] =	ssyncadd.s32 $0xFFFFFFE0  }
0xf7: {  	[tilespmem:s25], [sflag:$0x1] =	stream.indirect.gather [hbm4b:s20+s18], $0x40, s23, s18, $0xb8;
	[tilespmem:$0x155C0] =	vst v63  }
0xf8: {  	_ =	swait.ge [sflag:s0], $0x800  }
0xf9: {  	[sflag:s0] =	ssyncset.done $0x0  }
0xfa: {  	[sflag:s0] =	ssyncadd.s32 $0xFFFFF800  }
0xfb: {  	_ =	swait.ge [sflag:s0], $0x800  }
0xfc: {  	[sflag:s0] =	ssyncset.done $0x0  }
0xfd: {  	[sflag:s0] =	ssyncadd.s32 $0xFFFFF800  }
0xfe: {  	_ =	swait.ge [sflag:s0], $0x800  }
0xff: {  	[sflag:s0] =	ssyncset.done $0x0  }
0x100: {  	[sflag:s0] =	ssyncadd.s32 $0xFFFFF800  }
0x101: {  	_ =	swait.ge [sflag:s0], $0x800  }
0x102: {  	[sflag:s0] =	ssyncset.done $0x0  }
0x103: {  	[sflag:s0] =	ssyncadd.s32 $0xFFFFF800  }
0x104: {  	_ =	swait.ge [sflag:s0], $0x800  }
0x105: {  	[sflag:s0] =	ssyncset.done $0x0  }
0x106: {  	[sflag:s0] =	ssyncadd.s32 $0xFFFFF800  }
0x107: {  	_ =	swait.ge [sflag:s0], $0x800  }
0x108: {  	[sflag:s0] =	ssyncset.done $0x0  }
0x109: {  	s25 =	simm.s32 $0x0;
	[sflag:s0] =	ssyncadd.s32 $0xFFFFF800  }
0x10a: {  	v0 =	vld [tilespmem:s25+$0x11E30]  }
0x10b: {  	v1 =	vld [tilespmem:s25+$0x12630]  }
0x10c: {  	v2 =	vld [tilespmem:s25+$0x11DC0]  }
0x10d: {  	v3 =	vld [tilespmem:s25+$0x12E30]  }
0x10e: {  	v4 =	vld [tilespmem:s25+$0x125C0]  }
0x10f: {  	v5 =	vld [tilespmem:s25+$0x13630]  }
0x110: {  	v6 =	vld [tilespmem:s25+$0x11DD0]  }
0x111: {  	v7 =	vld [tilespmem:s25+$0x125D0]  }
0x112: {  	v8 =	vld [tilespmem:s25+$0x11DE0]  }
0x113: {  	v9 =	vld [tilespmem:s25+$0x11DF0]  }
0x114: {  	v10 =	vld [tilespmem:s25+$0x11E00]  }
0x115: {  	v11 =	vld [tilespmem:s25+$0x11E10]  }
0x116: {  	v12 =	vld [tilespmem:s25+$0x11E20]  }
0x117: {  	v13 =	vld [tilespmem:s25+$0x12620]  }
0x118: {  	v14 =	vld [tilespmem:s25+$0x12DC0]  }
0x119: {  	v15 =	vld [tilespmem:s25+$0x12DD0]  }
0x11a: {  	v16 =	vld [tilespmem:s25+$0x12DE0]  }
0x11b: {  	v17 =	vld [tilespmem:s25+$0x12DF0]  }
0x11c: {  	v18 =	vld [tilespmem:s25+$0x12E00]  }
0x11d: {  	v19 =	vld [tilespmem:s25+$0x12E10]  }
0x11e: {  	v20 =	vld [tilespmem:s25+$0x12E20]  }
0x11f: {  	v21 =	vld [tilespmem:s25+$0x135C0]  }
0x120: {  	v22 =	vld [tilespmem:s25+$0x135D0]  }
0x121: {  	v23 =	vld [tilespmem:s25+$0x135E0]  }
0x122: {  	v24 =	vld [tilespmem:s25+$0x135F0]  }
0x123: {  	v25 =	vld [tilespmem:s25+$0x13600]  }
0x124: {  	v26 =	vld [tilespmem:s25+$0x13610]  }
0x125: {  	v27 =	vld [tilespmem:s25+$0x13620]  }
0x126: {  	v55 =	vld [tilespmem:s25+$0x13E10];
	v0 =	vadd.f32 v1, v0  }
0x127: {  	v1 =	vld [tilespmem:s25+$0x13E30]  }
0x128: {  	v56 =	vld [tilespmem:s25+$0x13E20];
	v0 =	vadd.f32 v3, v0  }
0x129: {  	v3 =	vld [tilespmem:s25+$0x14630]  }
0x12a: {  	v0 =	vadd.f32 v5, v0;
	v5 =	vld [tilespmem:s25+$0x125E0]  }
0x12b: {  	v57 =	vld [tilespmem:s25+$0x145C0];
	v2 =	vadd.f32 v4, v2  }
0x12c: {  	v6 =	vadd.f32 v7, v6;
	v0 =	vadd.f32 v1, v0;
	v1 =	vld [tilespmem:s25+$0x125F0]  }
0x12d: {  	v4 =	vld [tilespmem:s25+$0x13DC0];
	v7 =	vadd.f32 v13, v12;
	v2 =	vadd.f32 v14, v2  }
0x12e: {  	v6 =	vadd.f32 v15, v6;
	v0 =	vadd.f32 v3, v0;
	v3 =	vld [tilespmem:s25+$0x12600]  }
0x12f: {  	v7 =	vadd.f32 v20, v7;
	v5 =	vadd.f32 v5, v8;
	v8 =	vld [tilespmem:s25+$0x13DD0]  }
0x130: {  	v2 =	vadd.f32 v21, v2;
	v6 =	vadd.f32 v22, v6;
	[tilespmem:s25+$0x14E30] =	vst v0;
	v0 =	vld [tilespmem:s25+$0x12610]  }
0x131: {  	v60 =	vadd.f32 v27, v7;
	v1 =	vadd.f32 v1, v9;
	v9 =	vld [tilespmem:s25+$0x13DE0]  }
0x132: {  	v58 =	vld [tilespmem:s25+$0x145D0];
	v61 =	vadd.f32 v4, v2;
	v5 =	vadd.f32 v16, v5  }
0x133: {  	v3 =	vadd.f32 v3, v10;
	v10 =	vld [tilespmem:s25+$0x13DF0];
	v1 =	vadd.f32 v17, v1  }
0x134: {  	v59 =	vld [tilespmem:s25+$0x145E0];
	v5 =	vadd.f32 v23, v5;
	v62 =	vadd.f32 v8, v6  }
0x135: {  	v0 =	vadd.f32 v0, v11;
	v11 =	vld [tilespmem:s25+$0x13E00];
	v3 =	vadd.f32 v18, v3  }
0x136: {  	v7 =	vld [tilespmem:s25+$0x145F0];
	v1 =	vadd.f32 v24, v1;
	v63 =	vadd.f32 v9, v5  }
0x137: {  	v4 =	vld [tilespmem:s25+$0x14600];
	v0 =	vadd.f32 v19, v0;
	v3 =	vadd.f32 v25, v3  }
0x138: {  	v8 =	vld [tilespmem:s25+$0x14620];
	v6 =	vadd.f32 v10, v1;
	v10 =	vadd.f32 v57, v61  }
0x139: {  	s29 =	simm.s32 $0x80;
	v5 =	vld [tilespmem:s25+$0x14610];
	v9 =	vadd.f32 v58, v62;
	v0 =	vadd.f32 v26, v0  }
0x13a: {  	v1 =	vld [tilespmem:s29+$0x11E30];
	v2 =	vadd.f32 v11, v3;
	[tilespmem:s25+$0x14DC0] =	vst v10;
	v10 =	vadd.f32 v59, v63  }
0x13b: {  	s28 =	simm.s32 $0x400;
	v3 =	vadd.f32 v55, v0;
	v0 =	vadd.f32 v56, v60  }
.LBB2_8:
0x13c: {  	p0 =	sne.s32 s28, $0x1E00;
	v11 =	vld [tilespmem:s29+$0x12630];
	[tilespmem:s25+$0x14DD0] =	vst v9;
	v6 =	vadd.f32 v7, v6  }
0x13d: {  	v7 =	vld [tilespmem:s29+$0x11DC0];
	[tilespmem:s25+$0x14DE0] =	vst v10;
	v2 =	vadd.f32 v4, v2  }
0x13e: {  	v4 =	vld [tilespmem:s29+$0x12E30];
	[tilespmem:s25+$0x14DF0] =	vst v6;
	v3 =	vadd.f32 v5, v3  }
0x13f: {  	v5 =	vld [tilespmem:s29+$0x125C0];
	[tilespmem:s25+$0x14E00] =	vst v2;
	v0 =	vadd.f32 v8, v0  }
0x140: {  	v2 =	vld [tilespmem:s29+$0x13630];
	[tilespmem:s25+$0x14E10] =	vst v3  }
0x141: {  	v3 =	vld [tilespmem:s29+$0x11DD0];
	v1 =	vadd.f32 v11, v1;
	[tilespmem:s25+$0x14E20] =	vst v0;
	s25 =	smov.u32 s29  }
0x142: {  	v0 =	vld [tilespmem:s25+$0x13E30]  }
0x143: {  	v6 =	vld [tilespmem:s25+$0x125D0];
	v1 =	vadd.f32 v4, v1  }
0x144: {  	v4 =	vadd.f32 v5, v7;
	v5 =	vld [tilespmem:s25+$0x14630]  }
0x145: {  	v7 =	vld [tilespmem:s25+$0x11DE0];
	v1 =	vadd.f32 v2, v1  }
0x146: {  	v2 =	vld [tilespmem:s25+$0x125E0]  }
0x147: {  	v8 =	vld [tilespmem:s25+$0x11DF0];
	v0 =	vadd.f32 v0, v1  }
0x148: {  	v1 =	vadd.f32 v6, v3;
	v3 =	vld [tilespmem:s25+$0x125F0]  }
0x149: {  	v6 =	vld [tilespmem:s25+$0x11E00];
	v0 =	vadd.f32 v5, v0  }
0x14a: {  	v5 =	vld [tilespmem:s25+$0x12600]  }
0x14b: {  	v2 =	vadd.f32 v2, v7;
	v7 =	vld [tilespmem:s25+$0x11E10];
	[tilespmem:s25+$0x14E30] =	vst v0  }
0x14c: {  	v0 =	vld [tilespmem:s25+$0x12610]  }
0x14d: {  	v3 =	vadd.f32 v3, v8;
	v8 =	vld [tilespmem:s25+$0x11E20]  }
0x14e: {  	v9 =	vld [tilespmem:s25+$0x12620]  }
0x14f: {  	v10 =	vld [tilespmem:s25+$0x12DC0];
	v5 =	vadd.f32 v5, v6  }
0x150: {  	v6 =	vld [tilespmem:s25+$0x12DD0]  }
0x151: {  	v11 =	vld [tilespmem:s25+$0x12DE0];
	v0 =	vadd.f32 v0, v7  }
0x152: {  	v7 =	vld [tilespmem:s25+$0x12DF0]  }
0x153: {  	v12 =	vld [tilespmem:s25+$0x12E00];
	v8 =	vadd.f32 v9, v8  }
0x154: {  	v4 =	vadd.f32 v10, v4;
	v9 =	vld [tilespmem:s25+$0x12E10]  }
0x155: {  	v1 =	vadd.f32 v6, v1;
	v6 =	vld [tilespmem:s25+$0x12E20]  }
0x156: {  	v10 =	vld [tilespmem:s25+$0x135C0];
	v2 =	vadd.f32 v11, v2  }
0x157: {  	v11 =	vld [tilespmem:s25+$0x135D0];
	v3 =	vadd.f32 v7, v3  }
0x158: {  	v7 =	vld [tilespmem:s25+$0x135E0];
	v5 =	vadd.f32 v12, v5  }
0x159: {  	v12 =	vld [tilespmem:s25+$0x135F0];
	v0 =	vadd.f32 v9, v0  }
0x15a: {  	v9 =	vld [tilespmem:s25+$0x13600];
	v6 =	vadd.f32 v6, v8  }
0x15b: {  	v4 =	vadd.f32 v10, v4;
	v8 =	vld [tilespmem:s25+$0x13610]  }
0x15c: {  	v1 =	vadd.f32 v11, v1;
	v10 =	vld [tilespmem:s25+$0x13620]  }
0x15d: {  	v11 =	vld [tilespmem:s25+$0x13DC0];
	v2 =	vadd.f32 v7, v2  }
0x15e: {  	v7 =	vld [tilespmem:s25+$0x13DD0];
	v3 =	vadd.f32 v12, v3  }
0x15f: {  	v12 =	vld [tilespmem:s25+$0x13DE0];
	v5 =	vadd.f32 v9, v5  }
0x160: {  	v9 =	vld [tilespmem:s25+$0x13DF0];
	v0 =	vadd.f32 v8, v0  }
0x161: {  	v8 =	vld [tilespmem:s25+$0x13E00];
	v10 =	vadd.f32 v10, v6  }
0x162: {  	v11 =	vadd.f32 v11, v4;
	v4 =	vld [tilespmem:s25+$0x13E10]  }
0x163: {  	v1 =	vadd.f32 v7, v1;
	v13 =	vld [tilespmem:s25+$0x13E20]  }
0x164: {  	v14 =	vld [tilespmem:s25+$0x145C0];
	v12 =	vadd.f32 v12, v2  }
0x165: {  	v15 =	vld [tilespmem:s25+$0x145D0];
	v6 =	vadd.f32 v9, v3  }
0x166: {  	v16 =	vld [tilespmem:s25+$0x145E0];
	v2 =	vadd.f32 v8, v5  }
.Ltmp3:
0x167: {  	v7 =	vld [tilespmem:s25+$0x145F0];
	v3 =	vadd.f32 v4, v0;
	(pc) =	sbr.rel @p0 .LBB2_8-.Ltmp3, $4  }
0x168: {  	v4 =	vld [tilespmem:s25+$0x14600];
	v0 =	vadd.f32 v13, v10  }
0x169: {  	v10 =	vadd.f32 v14, v11;
	v5 =	vld [tilespmem:s25+$0x14610]  }
0x16a: {  	s29 =	sshra.s32 s28, $0x2;
	v9 =	vadd.f32 v15, v1;
	v8 =	vld [tilespmem:s25+$0x14620]  }
0x16b: {  	s28 =	sadd.s32 $0x200, s28;
	v1 =	vld [tilespmem:s29+$0x11E30];
	[tilespmem:s25+$0x14DC0] =	vst v10;
	v10 =	vadd.f32 v16, v12  }
0x16c: {  	v11 =	vld [tilespmem:s29+$0x12630];
	[tilespmem:s25+$0x14DD0] =	vst v9;
	v6 =	vadd.f32 v7, v6  }
0x16d: {  	v9 =	vld [tilespmem:s29+$0x11DC0];
	[tilespmem:s25+$0x14DE0] =	vst v10;
	v2 =	vadd.f32 v4, v2  }
0x16e: {  	v34 =	vld [tilespmem:s29+$0x12E30];
	[tilespmem:s25+$0x14DF0] =	vst v6;
	v3 =	vadd.f32 v5, v3  }
0x16f: {  	v35 =	vld [tilespmem:s29+$0x125C0];
	[tilespmem:s25+$0x14E00] =	vst v2;
	v0 =	vadd.f32 v8, v0  }
0x170: {  	v2 =	vld [tilespmem:s29+$0x13630];
	[tilespmem:s25+$0x14E10] =	vst v3  }
0x171: {  	v3 =	vld [tilespmem:s29+$0x11DD0];
	[tilespmem:s25+$0x14E20] =	vst v0  }
0x172: {  	v37 =	vld [tilespmem:s29+$0x13E30]  }
0x173: {  	v38 =	vld [tilespmem:s29+$0x125D0]  }
0x174: {  	v6 =	vld [tilespmem:s29+$0x14630]  }
0x175: {  	v39 =	vld [tilespmem:s29+$0x11DE0]  }
0x176: {  	v40 =	vld [tilespmem:s29+$0x125E0]  }
0x177: {  	v41 =	vld [tilespmem:s29+$0x11DF0]  }
0x178: {  	v42 =	vld [tilespmem:s29+$0x125F0]  }
0x179: {  	v10 =	vld [tilespmem:s29+$0x11E00]  }
0x17a: {  	v43 =	vld [tilespmem:s29+$0x12600]  }
0x17b: {  	v44 =	vld [tilespmem:s29+$0x11E10]  }
0x17c: {  	v45 =	vld [tilespmem:s29+$0x12610]  }
0x17d: {  	v12 =	vld [tilespmem:s29+$0x11E20]  }
0x17e: {  	v13 =	vld [tilespmem:s29+$0x12620]  }
0x17f: {  	v14 =	vld [tilespmem:s29+$0x12DC0]  }
0x180: {  	v15 =	vld [tilespmem:s29+$0x12DD0]  }
0x181: {  	v16 =	vld [tilespmem:s29+$0x12DE0]  }
0x182: {  	v17 =	vld [tilespmem:s29+$0x12DF0]  }
0x183: {  	v18 =	vld [tilespmem:s29+$0x12E00]  }
0x184: {  	v19 =	vld [tilespmem:s29+$0x12E10]  }
0x185: {  	v20 =	vld [tilespmem:s29+$0x12E20]  }
0x186: {  	v21 =	vld [tilespmem:s29+$0x135C0]  }
0x187: {  	v36 =	vadd.f32 v11, v1;
	v22 =	vld [tilespmem:s29+$0x135D0]  }
0x188: {  	v23 =	vld [tilespmem:s29+$0x135E0]  }
0x189: {  	v24 =	vld [tilespmem:s29+$0x135F0];
	v0 =	vadd.f32 v34, v36  }
0x18a: {  	v25 =	vld [tilespmem:s29+$0x13600]  }
0x18b: {  	v26 =	vld [tilespmem:s29+$0x13610];
	v0 =	vadd.f32 v2, v0  }
0x18c: {  	v27 =	vld [tilespmem:s29+$0x13620];
	v4 =	vadd.f32 v35, v9  }
0x18d: {  	v46 =	vld [tilespmem:s29+$0x13DC0];
	v0 =	vadd.f32 v37, v0;
	v3 =	vadd.f32 v38, v3  }
0x18e: {  	v47 =	vld [tilespmem:s29+$0x13DD0];
	v2 =	vadd.f32 v40, v39;
	v1 =	vadd.f32 v42, v41  }
0x18f: {  	v48 =	vld [tilespmem:s29+$0x13DE0];
	v49 =	vadd.f32 v13, v12;
	v4 =	vadd.f32 v14, v4  }
0x190: {  	v50 =	vld [tilespmem:s29+$0x13DF0];
	v0 =	vadd.f32 v6, v0;
	v6 =	vadd.f32 v43, v10  }
0x191: {  	v51 =	vld [tilespmem:s29+$0x13E00];
	v3 =	vadd.f32 v15, v3;
	v2 =	vadd.f32 v16, v2  }
0x192: {  	v52 =	vld [tilespmem:s29+$0x13E10];
	v1 =	vadd.f32 v17, v1;
	v8 =	vadd.f32 v20, v49  }
0x193: {  	v53 =	vld [tilespmem:s29+$0x13E20];
	v4 =	vadd.f32 v21, v4;
	[tilespmem:s29+$0x14E30] =	vst v0;
	v0 =	vadd.f32 v45, v44  }
0x194: {  	v54 =	vld [tilespmem:s29+$0x145C0];
	v6 =	vadd.f32 v18, v6;
	v3 =	vadd.f32 v22, v3  }
0x195: {  	v55 =	vld [tilespmem:s29+$0x145D0];
	v2 =	vadd.f32 v23, v2;
	v1 =	vadd.f32 v24, v1  }
0x196: {  	v56 =	vld [tilespmem:s29+$0x145E0];
	v4 =	vadd.f32 v46, v4;
	v8 =	vadd.f32 v27, v8  }
0x197: {  	v57 =	vld [tilespmem:s29+$0x145F0];
	v0 =	vadd.f32 v19, v0;
	v6 =	vadd.f32 v25, v6  }
0x198: {  	v60 =	vld [tilespmem:s29+$0x14620];
	v3 =	vadd.f32 v47, v3;
	v2 =	vadd.f32 v48, v2  }
0x199: {  	v58 =	vld [tilespmem:s29+$0x14600];
	v4 =	vadd.f32 v54, v4;
	v1 =	vadd.f32 v50, v1  }
0x19a: {  	v59 =	vld [tilespmem:s29+$0x14610];
	v61 =	vadd.f32 v53, v8;
	v3 =	vadd.f32 v55, v3  }
0x19b: {  	v0 =	vadd.f32 v26, v0;
	[tilespmem:s29+$0x14DC0] =	vst v4;
	v2 =	vadd.f32 v56, v2  }
0x19c: {  	v6 =	vadd.f32 v51, v6;
	v1 =	vadd.f32 v57, v1;
	[tilespmem:s29+$0x14DD0] =	vst v3  }
0x19d: {  	v63 =	vadd.f32 v60, v61;
	v0 =	vadd.f32 v52, v0;
	[tilespmem:s29+$0x14DE0] =	vst v2  }
0x19e: {  	v62 =	vadd.f32 v58, v6;
	[tilespmem:s29+$0x14DF0] =	vst v1  }
0x19f: {  	[tilespmem:s29+$0x14E20] =	vst v63;
	v0 =	vadd.f32 v59, v0  }
0x1a0: {  	[tilespmem:s29+$0x14E00] =	vst v62  }
0x1a1: {  	s16 =	rddreg [dreg:$0x1b];
	s19 =	simm.s32 $0x14DC0;
	[tilespmem:s29+$0x14E10] =	vst v0  }
0x1a2: {  	[hbm4b:s16+s5] =	stream.linear.scatter [tilespmem:s19], [sflag:$0x3], $0x800, $0x38;
	[tilespmem:$0x155C0] =	vst v63  }
0x1a3: {  	_ =	swait.ge [sflag:s17], $0x800  }
0x1a4: {  	s24 =	sadd.s32 $0x1, s24;
	s29 =	rddreg [dreg:$0x1c]  }
0x1a5: {  	p0 =	sne.s32 s24, s29  }
.Ltmp4:
0x1a6: {  	_ = 	snop;
	(pc) =	sbr.rel @p0 .LBB2_1-.Ltmp4, $3  }
0x1a7: {  	_ =	sdelay $0x1  }
0x1a8: {  	[sflag:s17] =	ssyncset.done $0x0  }
0x1a9: {  	[sflag:s17] =	ssyncadd.s32 $0xFFFFF800  }
0x1aa: {  	_ =	sfence.sel $0x180000  }
0x1ab: {  	[bflag:$0x0] =	sbarrier.arrive $0xFFFF  }
0x1ac: {  	_ =	strace $0x90000047  }
0x1ad: {  	s0 =	stileid.u32;
	[bflag:$0x2] =	sbarrier.arrive $0xFFFF  }
0x1ae: {  	p0 =	sne.s32 s0, $0x0;
	s0 =	rddreg [dreg:$0xb]  }
0x1af: {  	s0 =	sadd.s32 @!p0 $0x100000, s0  }
0x1b0: {  	[sflag:s0] =	ssyncadd.tile.s32 @!p0 $0x1;
	_ =	shalt  }
.Lfunc_end2:
_tile_overlayer_lowered:
.L_overlay_start_2:
0x1b1: {  	(tag) =	ssettag $0x2  }
0x1b2: {  	s0 =	rddreg [dreg:$0x0];
	s2 =	stileid.u32  }
0x1b3: {  	s1 =	rddreg [dreg:$0x1];
	p0 =	sne.s32 s2, $0x0  }
0x1b4: {  	s3 =	rddreg [dreg:$0x2];
	[bflag:$0x3] =	sbarrier.arrive $0xFFFF;
	s2 =	simm.s32 @!p0 $0x1C03  }
0x1b5: {  	[timem:s3], [sflag:s2] =	dma.local @!p0 [hbm:s0], s1  }
0x1b6: {  	s0 =	simm.s32 @!p0 $0x3  }
0x1b7: {  	_ =	swait.ge @!p0 [sflag:s0], s1  }
0x1b8: {  	s1 =	ssub.s32 @!p0 $0x0, s1;
	[sflag:s0] =	ssyncset.done @!p0 $0x0  }
0x1b9: {  	[sflag:s0] =	ssyncadd.s32 @!p0 s1  }
0x1ba: {  	[bflag:$0x3] =	sbarrier.arrive $0xFFFF  }
0x1bb: {  	_ =	shalt  }

</sc_bundles>
